<compile_context>
chip_gen: v7x
topology: tpu7x:2x2x1
jax: 0.10.2.dev20260603
libtpu: 0.0.44.dev20260713+nightly
codegen_flags: <defaults>
</compile_context>

<pallas_src>
import functools

import jax
import jax.numpy as jnp
from jax import lax
from jax.experimental import pallas as pl
from jax.experimental.pallas import tpu as pltpu
from jax.experimental.pallas import tpu_sc as plsc

_LANES = 16


@functools.lru_cache(maxsize=None)
def _make_sc_kernel(batch: int, hist: int):
    info = plsc.get_sparse_core_info()
    nw = info.num_cores * info.num_subcores
    assert batch % (nw * _LANES) == 0
    rows_w = batch // nw
    groups = rows_w // _LANES
    mesh = plsc.VectorSubcoreMesh(core_axis_name="c", subcore_axis_name="s")

    @functools.partial(
        pl.kernel,
        out_type=jax.ShapeDtypeStruct((batch,), jnp.float32),
        mesh=mesh,
        scratch_types=[
            pltpu.VMEM((hist, rows_w // 2), jnp.int32),
            pltpu.VMEM((hist, rows_w // 2), jnp.int32),
            pltpu.VMEM((rows_w,), jnp.float32),
            pltpu.VMEM((32,), jnp.float32),
            pltpu.SemaphoreType.DMA((2,)),
        ],
        compiler_params=pltpu.CompilerParams(
            needs_layout_passes=False,
            use_tc_tiling_on_sc=True,
        ),
    )
    def kern(idsT_hbm, par_hbm, out_hbm, ids_a, ids_b, out_v, par_v, sems):
        wid = lax.axis_index("s") * info.num_cores + lax.axis_index("c")
        base = wid * rows_w
        half = rows_w // 2
        cp_a = pltpu.make_async_copy(
            idsT_hbm.at[:, pl.ds(base, half)], ids_a, sems.at[0])
        cp_b = pltpu.make_async_copy(
            idsT_hbm.at[:, pl.ds(base + half, half)], ids_b, sems.at[1])
        cp_a.start()
        cp_b.start()
        pltpu.sync_copy(par_hbm, par_v)

        p0 = par_v[pl.ds(0, _LANES)]
        p1 = par_v[pl.ds(_LANES, _LANES)]

        def s_of(v):
            acc = p0[4 * v] * p0[12]
            for d in range(1, 4):
                acc = acc + p0[4 * v + d] * p0[12 + d]
            return acc

        s0, s1, s2 = s_of(0), s_of(1), s_of(2)
        bias = p1[0]
        beta = s1 - s0
        gamma = 0.5 * (s2 - 2.0 * s1 + s0)
        inv_h = 1.0 / hist

        def make_group_body(buf, out_off):
            def group_body(g, _):
                col = g * _LANES
                acc1 = jnp.zeros((_LANES,), jnp.int32)
                acc2 = jnp.zeros((_LANES,), jnp.int32)
                for j in range(hist):
                    v = buf[j, pl.ds(col, _LANES)]
                    acc1 = acc1 + v
                    acc2 = acc2 + v * v
                f1 = acc1.astype(jnp.float32)
                f2 = acc2.astype(jnp.float32)
                logit = s0 + (beta * f1 + gamma * (f2 - f1)) * inv_h + bias
                out_v[pl.ds(out_off + col, _LANES)] = (
                    1.0 / (1.0 + jnp.exp(-logit)))
                return _
            return group_body

        cp_a.wait()
        lax.fori_loop(0, groups // 2, make_group_body(ids_a, 0), None)
        cp_b.wait()
        lax.fori_loop(0, groups // 2, make_group_body(ids_b, half), None)
        pltpu.sync_copy(out_v, out_hbm.at[pl.ds(base, rows_w)])

    return kern


def kernel(color_ids, table, W, b):
    batch, hist = color_ids.shape
    params = jnp.concatenate([
        table.reshape(-1).astype(jnp.float32),
        W.reshape(-1).astype(jnp.float32),
        b.reshape(-1).astype(jnp.float32),
        jnp.zeros((15,), jnp.float32),
    ])
    ids_t = color_ids.astype(jnp.int32).T
    out = _make_sc_kernel(batch, hist)(ids_t, params)
    return out.reshape(batch, 1)

# --- scband reference (transcript-rebuilt; emitter-appended) ---
"""Pipeline reference for scband-my-model-87522843560036 (READ-ONLY COPY).

The authoritative reference and input builder live on the scoring server;
editing this copy changes nothing except your own understanding.
"""

import jax, jax.numpy as jnp
import numpy as np

BATCH = 16384
HIST = 50
VOCAB = 3   # ['R', 'G', 'B']
EMB_DIM = 4


def setup_inputs(seed: int = 0) -> dict:
    key = jax.random.key(seed)
    k1, k2, k3, k4 = jax.random.split(key, 4)
    # variable-length string feature -> integer ids in [0, VOCAB)
    color_ids = jax.random.randint(k1, (BATCH, HIST), 0, VOCAB)
    # learned parameters: embedding table + output dense layer
    table = jax.random.normal(k2, (VOCAB, EMB_DIM), dtype=jnp.float32)
    W = jax.random.normal(k3, (EMB_DIM, 1), dtype=jnp.float32) * 0.5
    b = jnp.zeros((1,), dtype=jnp.float32)
    return {"color_ids": color_ids, "table": table, "W": W, "b": b}


def reference(color_ids, table, W, b):
    # embedding_column with combiner='mean': gather then mean-pool over the
    # multivalent dimension (all rows dense here, so plain mean over axis=1)
    emb = jnp.take(table, color_ids, axis=0)          # [B, L, EMB_DIM]
    pooled = jnp.mean(emb, axis=1)                    # [B, EMB_DIM]
    logits = pooled @ W + b                           # [B, 1]
    return jax.nn.sigmoid(logits)

if __name__ == "__main__":
    import jax
    _d = setup_inputs()
    print(jax.jit(kernel)(*tuple(_d.values())))

</pallas_src>

<mosaic_0001>
#map = affine_map<(d0, d1) -> (0, 0)>
#map1 = affine_map<(d0, d1) -> (0)>
module attributes {stable_mosaic.version = 14 : i64} {
  func.func @kern(%arg0: i32, %arg1: i32, %arg2: memref<50x16384xi32, #tpu.memory_space<hbm>>, %arg3: memref<32xf32, #tpu.memory_space<hbm>>, %arg4: memref<16384xf32, #tpu.memory_space<hbm>>, %arg5: memref<50x256xi32, #tpu.memory_space<vmem>>, %arg6: memref<50x256xi32, #tpu.memory_space<vmem>>, %arg7: memref<512xf32, #tpu.memory_space<vmem>>, %arg8: memref<32xf32, #tpu.memory_space<vmem>>, %arg9: memref<2x!tpu.dma_semaphore, #tpu.memory_space<semaphore_mem>>) attributes {dimension_semantics = [#tpu.dimension_semantics<core_parallel>, #tpu.dimension_semantics<subcore_parallel>], iteration_bounds = array<i64: 2, 16>, scalar_prefetch = 0 : i64, scratch_operands = 5 : i64, tpu.core_type = #tpu.core_type<sc_vector_subcore>, window_params = [{transform_indices = #map}, {transform_indices = #map1}, {transform_indices = #map1}]} {
    %mul3A = arith.constant 2 : i32
    %mul3A_0 = arith.muli %arg1, %mul3A : i32
    %add3A = arith.addi %mul3A_0, %arg0 : i32
    %mul3A_1 = arith.constant 512 : i32
    %mul3A_2 = arith.muli %add3A, %mul3A_1 : i32
    %add3A_3 = arith.constant 256 : i32
    %add3A_4 = arith.addi %mul3A_2, %add3A_3 : i32
    %dma_start3A = arith.constant 0 : i32
    %dma_start3A_5 = arith.constant 0 : i32
    %dma_start3A_6 = tpu.memref_slice %arg2[%dma_start3A_5, %mul3A_2] : memref<50x16384xi32, #tpu.memory_space<hbm>> -> memref<50x256xi32, #tpu.memory_space<hbm>>
    %dma_start3A_7 = tpu.memref_slice %arg9[%dma_start3A] : memref<2x!tpu.dma_semaphore, #tpu.memory_space<semaphore_mem>> -> memref<1x!tpu.dma_semaphore, #tpu.memory_space<semaphore_mem>>
    %dma_start3A_8 = tpu.memref_squeeze %dma_start3A_7 : memref<1x!tpu.dma_semaphore, #tpu.memory_space<semaphore_mem>> -> memref<!tpu.dma_semaphore, #tpu.memory_space<semaphore_mem>>
    %dma_start3A_9 = arith.constant 0 : i32
    %dma_start3A_10 = tpu.memref_slice %arg2[%dma_start3A_9, %mul3A_2] : memref<50x16384xi32, #tpu.memory_space<hbm>> -> memref<50x256xi32, #tpu.memory_space<hbm>>
    tpu.enqueue_dma source(%dma_start3A_10 : memref<50x256xi32, #tpu.memory_space<hbm>>) target(%arg5 : memref<50x256xi32, #tpu.memory_space<vmem>>) target_semaphore(%dma_start3A_8 : memref<!tpu.dma_semaphore, #tpu.memory_space<semaphore_mem>>)
    %dma_start3A_11 = arith.constant 1 : i32
    %dma_start3A_12 = arith.constant 0 : i32
    %dma_start3A_13 = tpu.memref_slice %arg2[%dma_start3A_12, %add3A_4] : memref<50x16384xi32, #tpu.memory_space<hbm>> -> memref<50x256xi32, #tpu.memory_space<hbm>>
    %dma_start3A_14 = tpu.memref_slice %arg9[%dma_start3A_11] : memref<2x!tpu.dma_semaphore, #tpu.memory_space<semaphore_mem>> -> memref<1x!tpu.dma_semaphore, #tpu.memory_space<semaphore_mem>>
    %dma_start3A_15 = tpu.memref_squeeze %dma_start3A_14 : memref<1x!tpu.dma_semaphore, #tpu.memory_space<semaphore_mem>> -> memref<!tpu.dma_semaphore, #tpu.memory_space<semaphore_mem>>
    %dma_start3A_16 = arith.constant 0 : i32
    %dma_start3A_17 = tpu.memref_slice %arg2[%dma_start3A_16, %add3A_4] : memref<50x16384xi32, #tpu.memory_space<hbm>> -> memref<50x256xi32, #tpu.memory_space<hbm>>
    tpu.enqueue_dma source(%dma_start3A_17 : memref<50x256xi32, #tpu.memory_space<hbm>>) target(%arg6 : memref<50x256xi32, #tpu.memory_space<vmem>>) target_semaphore(%dma_start3A_15 : memref<!tpu.dma_semaphore, #tpu.memory_space<semaphore_mem>>)
    "tpu.region"() ({
      %run_scoped3A = tpu.sem_alloc : memref<!tpu.dma_semaphore, #tpu.memory_space<semaphore_mem>>
      tpu.enqueue_dma source(%arg3 : memref<32xf32, #tpu.memory_space<hbm>>) target(%arg8 : memref<32xf32, #tpu.memory_space<vmem>>) target_semaphore(%run_scoped3A : memref<!tpu.dma_semaphore, #tpu.memory_space<semaphore_mem>>)
      tpu.wait_dma2 semaphore(%run_scoped3A : memref<!tpu.dma_semaphore, #tpu.memory_space<semaphore_mem>>) src(%arg3 : memref<32xf32, #tpu.memory_space<hbm>>) dst(%arg8 : memref<32xf32, #tpu.memory_space<vmem>>)
      tpu.yield
    }) : () -> ()
    %get3A = arith.constant 0 : index
    %get3A_18 = tpu.vector_load %arg8[%get3A] {strides = array<i32>} : memref<32xf32, #tpu.memory_space<vmem>>, vector<16xf32>,
    %get3A_19 = arith.constant 16 : index
    %get3A_20 = tpu.vector_load %arg8[%get3A_19] {strides = array<i32>} : memref<32xf32, #tpu.memory_space<vmem>>, vector<16xf32>,
    %slice3A = vector.extract_strided_slice %get3A_18 {offsets = [0], sizes = [1], strides = [1]} : vector<16xf32> to vector<1xf32>
    %squeeze3A = vector.extract %slice3A[0] : f32 from vector<1xf32>
    %slice3A_21 = vector.extract_strided_slice %get3A_18 {offsets = [12], sizes = [1], strides = [1]} : vector<16xf32> to vector<1xf32>
    %squeeze3A_22 = vector.extract %slice3A_21[0] : f32 from vector<1xf32>
    %mul3A_23 = arith.mulf %squeeze3A, %squeeze3A_22 : f32
    %slice3A_24 = vector.extract_strided_slice %get3A_18 {offsets = [1], sizes = [1], strides = [1]} : vector<16xf32> to vector<1xf32>
    %squeeze3A_25 = vector.extract %slice3A_24[0] : f32 from vector<1xf32>
    %slice3A_26 = vector.extract_strided_slice %get3A_18 {offsets = [13], sizes = [1], strides = [1]} : vector<16xf32> to vector<1xf32>
    %squeeze3A_27 = vector.extract %slice3A_26[0] : f32 from vector<1xf32>
    %mul3A_28 = arith.mulf %squeeze3A_25, %squeeze3A_27 : f32
    %add3A_29 = arith.addf %mul3A_23, %mul3A_28 : f32
    %slice3A_30 = vector.extract_strided_slice %get3A_18 {offsets = [2], sizes = [1], strides = [1]} : vector<16xf32> to vector<1xf32>
    %squeeze3A_31 = vector.extract %slice3A_30[0] : f32 from vector<1xf32>
    %slice3A_32 = vector.extract_strided_slice %get3A_18 {offsets = [14], sizes = [1], strides = [1]} : vector<16xf32> to vector<1xf32>
    %squeeze3A_33 = vector.extract %slice3A_32[0] : f32 from vector<1xf32>
    %mul3A_34 = arith.mulf %squeeze3A_31, %squeeze3A_33 : f32
    %add3A_35 = arith.addf %add3A_29, %mul3A_34 : f32
    %slice3A_36 = vector.extract_strided_slice %get3A_18 {offsets = [3], sizes = [1], strides = [1]} : vector<16xf32> to vector<1xf32>
    %squeeze3A_37 = vector.extract %slice3A_36[0] : f32 from vector<1xf32>
    %slice3A_38 = vector.extract_strided_slice %get3A_18 {offsets = [15], sizes = [1], strides = [1]} : vector<16xf32> to vector<1xf32>
    %squeeze3A_39 = vector.extract %slice3A_38[0] : f32 from vector<1xf32>
    %mul3A_40 = arith.mulf %squeeze3A_37, %squeeze3A_39 : f32
    %add3A_41 = arith.addf %add3A_35, %mul3A_40 : f32
    %slice3A_42 = vector.extract_strided_slice %get3A_18 {offsets = [4], sizes = [1], strides = [1]} : vector<16xf32> to vector<1xf32>
    %squeeze3A_43 = vector.extract %slice3A_42[0] : f32 from vector<1xf32>
    %slice3A_44 = vector.extract_strided_slice %get3A_18 {offsets = [12], sizes = [1], strides = [1]} : vector<16xf32> to vector<1xf32>
    %squeeze3A_45 = vector.extract %slice3A_44[0] : f32 from vector<1xf32>
    %mul3A_46 = arith.mulf %squeeze3A_43, %squeeze3A_45 : f32
    %slice3A_47 = vector.extract_strided_slice %get3A_18 {offsets = [5], sizes = [1], strides = [1]} : vector<16xf32> to vector<1xf32>
    %squeeze3A_48 = vector.extract %slice3A_47[0] : f32 from vector<1xf32>
    %slice3A_49 = vector.extract_strided_slice %get3A_18 {offsets = [13], sizes = [1], strides = [1]} : vector<16xf32> to vector<1xf32>
    %squeeze3A_50 = vector.extract %slice3A_49[0] : f32 from vector<1xf32>
    %mul3A_51 = arith.mulf %squeeze3A_48, %squeeze3A_50 : f32
    %add3A_52 = arith.addf %mul3A_46, %mul3A_51 : f32
    %slice3A_53 = vector.extract_strided_slice %get3A_18 {offsets = [6], sizes = [1], strides = [1]} : vector<16xf32> to vector<1xf32>
    %squeeze3A_54 = vector.extract %slice3A_53[0] : f32 from vector<1xf32>
    %slice3A_55 = vector.extract_strided_slice %get3A_18 {offsets = [14], sizes = [1], strides = [1]} : vector<16xf32> to vector<1xf32>
    %squeeze3A_56 = vector.extract %slice3A_55[0] : f32 from vector<1xf32>
    %mul3A_57 = arith.mulf %squeeze3A_54, %squeeze3A_56 : f32
    %add3A_58 = arith.addf %add3A_52, %mul3A_57 : f32
    %slice3A_59 = vector.extract_strided_slice %get3A_18 {offsets = [7], sizes = [1], strides = [1]} : vector<16xf32> to vector<1xf32>
    %squeeze3A_60 = vector.extract %slice3A_59[0] : f32 from vector<1xf32>
    %slice3A_61 = vector.extract_strided_slice %get3A_18 {offsets = [15], sizes = [1], strides = [1]} : vector<16xf32> to vector<1xf32>
    %squeeze3A_62 = vector.extract %slice3A_61[0] : f32 from vector<1xf32>
    %mul3A_63 = arith.mulf %squeeze3A_60, %squeeze3A_62 : f32
    %add3A_64 = arith.addf %add3A_58, %mul3A_63 : f32
    %slice3A_65 = vector.extract_strided_slice %get3A_18 {offsets = [8], sizes = [1], strides = [1]} : vector<16xf32> to vector<1xf32>
    %squeeze3A_66 = vector.extract %slice3A_65[0] : f32 from vector<1xf32>
    %slice3A_67 = vector.extract_strided_slice %get3A_18 {offsets = [12], sizes = [1], strides = [1]} : vector<16xf32> to vector<1xf32>
    %squeeze3A_68 = vector.extract %slice3A_67[0] : f32 from vector<1xf32>
    %mul3A_69 = arith.mulf %squeeze3A_66, %squeeze3A_68 : f32
    %slice3A_70 = vector.extract_strided_slice %get3A_18 {offsets = [9], sizes = [1], strides = [1]} : vector<16xf32> to vector<1xf32>
    %squeeze3A_71 = vector.extract %slice3A_70[0] : f32 from vector<1xf32>
    %slice3A_72 = vector.extract_strided_slice %get3A_18 {offsets = [13], sizes = [1], strides = [1]} : vector<16xf32> to vector<1xf32>
    %squeeze3A_73 = vector.extract %slice3A_72[0] : f32 from vector<1xf32>
    %mul3A_74 = arith.mulf %squeeze3A_71, %squeeze3A_73 : f32
    %add3A_75 = arith.addf %mul3A_69, %mul3A_74 : f32
    %slice3A_76 = vector.extract_strided_slice %get3A_18 {offsets = [10], sizes = [1], strides = [1]} : vector<16xf32> to vector<1xf32>
    %squeeze3A_77 = vector.extract %slice3A_76[0] : f32 from vector<1xf32>
    %slice3A_78 = vector.extract_strided_slice %get3A_18 {offsets = [14], sizes = [1], strides = [1]} : vector<16xf32> to vector<1xf32>
    %squeeze3A_79 = vector.extract %slice3A_78[0] : f32 from vector<1xf32>
    %mul3A_80 = arith.mulf %squeeze3A_77, %squeeze3A_79 : f32
    %add3A_81 = arith.addf %add3A_75, %mul3A_80 : f32
    %slice3A_82 = vector.extract_strided_slice %get3A_18 {offsets = [11], sizes = [1], strides = [1]} : vector<16xf32> to vector<1xf32>
    %squeeze3A_83 = vector.extract %slice3A_82[0] : f32 from vector<1xf32>
    %slice3A_84 = vector.extract_strided_slice %get3A_18 {offsets = [15], sizes = [1], strides = [1]} : vector<16xf32> to vector<1xf32>
    %squeeze3A_85 = vector.extract %slice3A_84[0] : f32 from vector<1xf32>
    %mul3A_86 = arith.mulf %squeeze3A_83, %squeeze3A_85 : f32
    %add3A_87 = arith.addf %add3A_81, %mul3A_86 : f32
    %slice3A_88 = vector.extract_strided_slice %get3A_20 {offsets = [0], sizes = [1], strides = [1]} : vector<16xf32> to vector<1xf32>
    %squeeze3A_89 = vector.extract %slice3A_88[0] : f32 from vector<1xf32>
    %sub3A = arith.subf %add3A_64, %add3A_41 : f32
    %mul3A_90 = arith.constant 2.000000e+00 : f32
    %mul3A_91 = arith.mulf %mul3A_90, %add3A_64 : f32
    %sub3A_92 = arith.subf %add3A_87, %mul3A_91 : f32
    %add3A_93 = arith.addf %sub3A_92, %add3A_41 : f32
    %mul3A_94 = arith.constant 5.000000e-01 : f32
    %mul3A_95 = arith.mulf %mul3A_94, %add3A_93 : f32
    %dma_wait3A = arith.constant 0 : i32
    %dma_wait3A_96 = arith.constant 0 : i32
    %dma_wait3A_97 = tpu.memref_slice %arg2[%dma_wait3A_96, %mul3A_2] : memref<50x16384xi32, #tpu.memory_space<hbm>> -> memref<50x256xi32, #tpu.memory_space<hbm>>
    %dma_wait3A_98 = tpu.memref_slice %arg9[%dma_wait3A] : memref<2x!tpu.dma_semaphore, #tpu.memory_space<semaphore_mem>> -> memref<1x!tpu.dma_semaphore, #tpu.memory_space<semaphore_mem>>
    %dma_wait3A_99 = tpu.memref_squeeze %dma_wait3A_98 : memref<1x!tpu.dma_semaphore, #tpu.memory_space<semaphore_mem>> -> memref<!tpu.dma_semaphore, #tpu.memory_space<semaphore_mem>>
    %dma_wait3A_100 = arith.constant 0 : i32
    %dma_wait3A_101 = tpu.memref_slice %arg2[%dma_wait3A_100, %mul3A_2] : memref<50x16384xi32, #tpu.memory_space<hbm>> -> memref<50x256xi32, #tpu.memory_space<hbm>>
    tpu.wait_dma2 semaphore(%dma_wait3A_99 : memref<!tpu.dma_semaphore, #tpu.memory_space<semaphore_mem>>) src(%dma_wait3A_101 : memref<50x256xi32, #tpu.memory_space<hbm>>) dst(%arg5 : memref<50x256xi32, #tpu.memory_space<vmem>>)
    %scan3A = arith.constant 0 : i32
    %scan3A_102 = arith.constant 16 : i32
    %scan3A_103 = arith.addi %scan3A, %scan3A_102 : i32
    %scan3A_104 = arith.constant 1 : i32
    scf.for %scan3A_118 = %scan3A to %scan3A_103 step %scan3A_104  : i32 {
      %mul3A_119 = arith.constant 16 : i32
      %mul3A_120 = arith.muli %scan3A_118, %mul3A_119 : i32
      %broadcast_in_dim3A = arith.constant 0 : i32
      %broadcast_in_dim3A_121 = vector.broadcast %broadcast_in_dim3A : i32 to vector<16xi32>
      %broadcast_in_dim3A_122 = arith.constant 0 : i32
      %broadcast_in_dim3A_123 = vector.broadcast %broadcast_in_dim3A_122 : i32 to vector<16xi32>
      %get3A_124 = arith.constant 0 : i32
      %get3A_125 = arith.index_cast %get3A_124 : i32 to index
      %get3A_126 = arith.index_cast %mul3A_120 : i32 to index
      %get3A_127 = tpu.vector_load %arg5[%get3A_125, %get3A_126] {strides = array<i32>} : memref<50x256xi32, #tpu.memory_space<vmem>>, vector<16xi32>,
      %add3A_128 = arith.addi %broadcast_in_dim3A_121, %get3A_127 : vector<16xi32>
      %mul3A_129 = arith.muli %get3A_127, %get3A_127 : vector<16xi32>
      %add3A_130 = arith.addi %broadcast_in_dim3A_123, %mul3A_129 : vector<16xi32>
      %get3A_131 = arith.constant 1 : i32
      %get3A_132 = arith.index_cast %get3A_131 : i32 to index
      %get3A_133 = arith.index_cast %mul3A_120 : i32 to index
      %get3A_134 = tpu.vector_load %arg5[%get3A_132, %get3A_133] {strides = array<i32>} : memref<50x256xi32, #tpu.memory_space<vmem>>, vector<16xi32>,
      %add3A_135 = arith.addi %add3A_128, %get3A_134 : vector<16xi32>
      %mul3A_136 = arith.muli %get3A_134, %get3A_134 : vector<16xi32>
      %add3A_137 = arith.addi %add3A_130, %mul3A_136 : vector<16xi32>
      %get3A_138 = arith.constant 2 : i32
      %get3A_139 = arith.index_cast %get3A_138 : i32 to index
      %get3A_140 = arith.index_cast %mul3A_120 : i32 to index
      %get3A_141 = tpu.vector_load %arg5[%get3A_139, %get3A_140] {strides = array<i32>} : memref<50x256xi32, #tpu.memory_space<vmem>>, vector<16xi32>,
      %add3A_142 = arith.addi %add3A_135, %get3A_141 : vector<16xi32>
      %mul3A_143 = arith.muli %get3A_141, %get3A_141 : vector<16xi32>
      %add3A_144 = arith.addi %add3A_137, %mul3A_143 : vector<16xi32>
      %get3A_145 = arith.constant 3 : i32
      %get3A_146 = arith.index_cast %get3A_145 : i32 to index
      %get3A_147 = arith.index_cast %mul3A_120 : i32 to index
      %get3A_148 = tpu.vector_load %arg5[%get3A_146, %get3A_147] {strides = array<i32>} : memref<50x256xi32, #tpu.memory_space<vmem>>, vector<16xi32>,
      %add3A_149 = arith.addi %add3A_142, %get3A_148 : vector<16xi32>
      %mul3A_150 = arith.muli %get3A_148, %get3A_148 : vector<16xi32>
      %add3A_151 = arith.addi %add3A_144, %mul3A_150 : vector<16xi32>
      %get3A_152 = arith.constant 4 : i32
      %get3A_153 = arith.index_cast %get3A_152 : i32 to index
      %get3A_154 = arith.index_cast %mul3A_120 : i32 to index
      %get3A_155 = tpu.vector_load %arg5[%get3A_153, %get3A_154] {strides = array<i32>} : memref<50x256xi32, #tpu.memory_space<vmem>>, vector<16xi32>,
      %add3A_156 = arith.addi %add3A_149, %get3A_155 : vector<16xi32>
      %mul3A_157 = arith.muli %get3A_155, %get3A_155 : vector<16xi32>
      %add3A_158 = arith.addi %add3A_151, %mul3A_157 : vector<16xi32>
      %get3A_159 = arith.constant 5 : i32
      %get3A_160 = arith.index_cast %get3A_159 : i32 to index
      %get3A_161 = arith.index_cast %mul3A_120 : i32 to index
      %get3A_162 = tpu.vector_load %arg5[%get3A_160, %get3A_161] {strides = array<i32>} : memref<50x256xi32, #tpu.memory_space<vmem>>, vector<16xi32>,
      %add3A_163 = arith.addi %add3A_156, %get3A_162 : vector<16xi32>
      %mul3A_164 = arith.muli %get3A_162, %get3A_162 : vector<16xi32>
      %add3A_165 = arith.addi %add3A_158, %mul3A_164 : vector<16xi32>
      %get3A_166 = arith.constant 6 : i32
      %get3A_167 = arith.index_cast %get3A_166 : i32 to index
      %get3A_168 = arith.index_cast %mul3A_120 : i32 to index
      %get3A_169 = tpu.vector_load %arg5[%get3A_167, %get3A_168] {strides = array<i32>} : memref<50x256xi32, #tpu.memory_space<vmem>>, vector<16xi32>,
      %add3A_170 = arith.addi %add3A_163, %get3A_169 : vector<16xi32>
      %mul3A_171 = arith.muli %get3A_169, %get3A_169 : vector<16xi32>
      %add3A_172 = arith.addi %add3A_165, %mul3A_171 : vector<16xi32>
      %get3A_173 = arith.constant 7 : i32
      %get3A_174 = arith.index_cast %get3A_173 : i32 to index
      %get3A_175 = arith.index_cast %mul3A_120 : i32 to index
      %get3A_176 = tpu.vector_load %arg5[%get3A_174, %get3A_175] {strides = array<i32>} : memref<50x256xi32, #tpu.memory_space<vmem>>, vector<16xi32>,
      %add3A_177 = arith.addi %add3A_170, %get3A_176 : vector<16xi32>
      %mul3A_178 = arith.muli %get3A_176, %get3A_176 : vector<16xi32>
      %add3A_179 = arith.addi %add3A_172, %mul3A_178 : vector<16xi32>
      %get3A_180 = arith.constant 8 : i32
      %get3A_181 = arith.index_cast %get3A_180 : i32 to index
      %get3A_182 = arith.index_cast %mul3A_120 : i32 to index
      %get3A_183 = tpu.vector_load %arg5[%get3A_181, %get3A_182] {strides = array<i32>} : memref<50x256xi32, #tpu.memory_space<vmem>>, vector<16xi32>,
      %add3A_184 = arith.addi %add3A_177, %get3A_183 : vector<16xi32>
      %mul3A_185 = arith.muli %get3A_183, %get3A_183 : vector<16xi32>
      %add3A_186 = arith.addi %add3A_179, %mul3A_185 : vector<16xi32>
      %get3A_187 = arith.constant 9 : i32
      %get3A_188 = arith.index_cast %get3A_187 : i32 to index
      %get3A_189 = arith.index_cast %mul3A_120 : i32 to index
      %get3A_190 = tpu.vector_load %arg5[%get3A_188, %get3A_189] {strides = array<i32>} : memref<50x256xi32, #tpu.memory_space<vmem>>, vector<16xi32>,
      %add3A_191 = arith.addi %add3A_184, %get3A_190 : vector<16xi32>
      %mul3A_192 = arith.muli %get3A_190, %get3A_190 : vector<16xi32>
      %add3A_193 = arith.addi %add3A_186, %mul3A_192 : vector<16xi32>
      %get3A_194 = arith.constant 10 : i32
      %get3A_195 = arith.index_cast %get3A_194 : i32 to index
      %get3A_196 = arith.index_cast %mul3A_120 : i32 to index
      %get3A_197 = tpu.vector_load %arg5[%get3A_195, %get3A_196] {strides = array<i32>} : memref<50x256xi32, #tpu.memory_space<vmem>>, vector<16xi32>,
      %add3A_198 = arith.addi %add3A_191, %get3A_197 : vector<16xi32>
      %mul3A_199 = arith.muli %get3A_197, %get3A_197 : vector<16xi32>
      %add3A_200 = arith.addi %add3A_193, %mul3A_199 : vector<16xi32>
      %get3A_201 = arith.constant 11 : i32
      %get3A_202 = arith.index_cast %get3A_201 : i32 to index
      %get3A_203 = arith.index_cast %mul3A_120 : i32 to index
      %get3A_204 = tpu.vector_load %arg5[%get3A_202, %get3A_203] {strides = array<i32>} : memref<50x256xi32, #tpu.memory_space<vmem>>, vector<16xi32>,
      %add3A_205 = arith.addi %add3A_198, %get3A_204 : vector<16xi32>
      %mul3A_206 = arith.muli %get3A_204, %get3A_204 : vector<16xi32>
      %add3A_207 = arith.addi %add3A_200, %mul3A_206 : vector<16xi32>
      %get3A_208 = arith.constant 12 : i32
      %get3A_209 = arith.index_cast %get3A_208 : i32 to index
      %get3A_210 = arith.index_cast %mul3A_120 : i32 to index
      %get3A_211 = tpu.vector_load %arg5[%get3A_209, %get3A_210] {strides = array<i32>} : memref<50x256xi32, #tpu.memory_space<vmem>>, vector<16xi32>,
      %add3A_212 = arith.addi %add3A_205, %get3A_211 : vector<16xi32>
      %mul3A_213 = arith.muli %get3A_211, %get3A_211 : vector<16xi32>
      %add3A_214 = arith.addi %add3A_207, %mul3A_213 : vector<16xi32>
      %get3A_215 = arith.constant 13 : i32
      %get3A_216 = arith.index_cast %get3A_215 : i32 to index
      %get3A_217 = arith.index_cast %mul3A_120 : i32 to index
      %get3A_218 = tpu.vector_load %arg5[%get3A_216, %get3A_217] {strides = array<i32>} : memref<50x256xi32, #tpu.memory_space<vmem>>, vector<16xi32>,
      %add3A_219 = arith.addi %add3A_212, %get3A_218 : vector<16xi32>
      %mul3A_220 = arith.muli %get3A_218, %get3A_218 : vector<16xi32>
      %add3A_221 = arith.addi %add3A_214, %mul3A_220 : vector<16xi32>
      %get3A_222 = arith.constant 14 : i32
      %get3A_223 = arith.index_cast %get3A_222 : i32 to index
      %get3A_224 = arith.index_cast %mul3A_120 : i32 to index
      %get3A_225 = tpu.vector_load %arg5[%get3A_223, %get3A_224] {strides = array<i32>} : memref<50x256xi32, #tpu.memory_space<vmem>>, vector<16xi32>,
      %add3A_226 = arith.addi %add3A_219, %get3A_225 : vector<16xi32>
      %mul3A_227 = arith.muli %get3A_225, %get3A_225 : vector<16xi32>
      %add3A_228 = arith.addi %add3A_221, %mul3A_227 : vector<16xi32>
      %get3A_229 = arith.constant 15 : i32
      %get3A_230 = arith.index_cast %get3A_229 : i32 to index
      %get3A_231 = arith.index_cast %mul3A_120 : i32 to index
      %get3A_232 = tpu.vector_load %arg5[%get3A_230, %get3A_231] {strides = array<i32>} : memref<50x256xi32, #tpu.memory_space<vmem>>, vector<16xi32>,
      %add3A_233 = arith.addi %add3A_226, %get3A_232 : vector<16xi32>
      %mul3A_234 = arith.muli %get3A_232, %get3A_232 : vector<16xi32>
      %add3A_235 = arith.addi %add3A_228, %mul3A_234 : vector<16xi32>
      %get3A_236 = arith.constant 16 : i32
      %get3A_237 = arith.index_cast %get3A_236 : i32 to index
      %get3A_238 = arith.index_cast %mul3A_120 : i32 to index
      %get3A_239 = tpu.vector_load %arg5[%get3A_237, %get3A_238] {strides = array<i32>} : memref<50x256xi32, #tpu.memory_space<vmem>>, vector<16xi32>,
      %add3A_240 = arith.addi %add3A_233, %get3A_239 : vector<16xi32>
      %mul3A_241 = arith.muli %get3A_239, %get3A_239 : vector<16xi32>
      %add3A_242 = arith.addi %add3A_235, %mul3A_241 : vector<16xi32>
      %get3A_243 = arith.constant 17 : i32
      %get3A_244 = arith.index_cast %get3A_243 : i32 to index
      %get3A_245 = arith.index_cast %mul3A_120 : i32 to index
      %get3A_246 = tpu.vector_load %arg5[%get3A_244, %get3A_245] {strides = array<i32>} : memref<50x256xi32, #tpu.memory_space<vmem>>, vector<16xi32>,
      %add3A_247 = arith.addi %add3A_240, %get3A_246 : vector<16xi32>
      %mul3A_248 = arith.muli %get3A_246, %get3A_246 : vector<16xi32>
      %add3A_249 = arith.addi %add3A_242, %mul3A_248 : vector<16xi32>
      %get3A_250 = arith.constant 18 : i32
      %get3A_251 = arith.index_cast %get3A_250 : i32 to index
      %get3A_252 = arith.index_cast %mul3A_120 : i32 to index
      %get3A_253 = tpu.vector_load %arg5[%get3A_251, %get3A_252] {strides = array<i32>} : memref<50x256xi32, #tpu.memory_space<vmem>>, vector<16xi32>,
      %add3A_254 = arith.addi %add3A_247, %get3A_253 : vector<16xi32>
      %mul3A_255 = arith.muli %get3A_253, %get3A_253 : vector<16xi32>
      %add3A_256 = arith.addi %add3A_249, %mul3A_255 : vector<16xi32>
      %get3A_257 = arith.constant 19 : i32
      %get3A_258 = arith.index_cast %get3A_257 : i32 to index
      %get3A_259 = arith.index_cast %mul3A_120 : i32 to index
      %get3A_260 = tpu.vector_load %arg5[%get3A_258, %get3A_259] {strides = array<i32>} : memref<50x256xi32, #tpu.memory_space<vmem>>, vector<16xi32>,
      %add3A_261 = arith.addi %add3A_254, %get3A_260 : vector<16xi32>
      %mul3A_262 = arith.muli %get3A_260, %get3A_260 : vector<16xi32>
      %add3A_263 = arith.addi %add3A_256, %mul3A_262 : vector<16xi32>
      %get3A_264 = arith.constant 20 : i32
      %get3A_265 = arith.index_cast %get3A_264 : i32 to index
      %get3A_266 = arith.index_cast %mul3A_120 : i32 to index
      %get3A_267 = tpu.vector_load %arg5[%get3A_265, %get3A_266] {strides = array<i32>} : memref<50x256xi32, #tpu.memory_space<vmem>>, vector<16xi32>,
      %add3A_268 = arith.addi %add3A_261, %get3A_267 : vector<16xi32>
      %mul3A_269 = arith.muli %get3A_267, %get3A_267 : vector<16xi32>
      %add3A_270 = arith.addi %add3A_263, %mul3A_269 : vector<16xi32>
      %get3A_271 = arith.constant 21 : i32
      %get3A_272 = arith.index_cast %get3A_271 : i32 to index
      %get3A_273 = arith.index_cast %mul3A_120 : i32 to index
      %get3A_274 = tpu.vector_load %arg5[%get3A_272, %get3A_273] {strides = array<i32>} : memref<50x256xi32, #tpu.memory_space<vmem>>, vector<16xi32>,
      %add3A_275 = arith.addi %add3A_268, %get3A_274 : vector<16xi32>
      %mul3A_276 = arith.muli %get3A_274, %get3A_274 : vector<16xi32>
      %add3A_277 = arith.addi %add3A_270, %mul3A_276 : vector<16xi32>
      %get3A_278 = arith.constant 22 : i32
      %get3A_279 = arith.index_cast %get3A_278 : i32 to index
      %get3A_280 = arith.index_cast %mul3A_120 : i32 to index
      %get3A_281 = tpu.vector_load %arg5[%get3A_279, %get3A_280] {strides = array<i32>} : memref<50x256xi32, #tpu.memory_space<vmem>>, vector<16xi32>,
      %add3A_282 = arith.addi %add3A_275, %get3A_281 : vector<16xi32>
      %mul3A_283 = arith.muli %get3A_281, %get3A_281 : vector<16xi32>
      %add3A_284 = arith.addi %add3A_277, %mul3A_283 : vector<16xi32>
      %get3A_285 = arith.constant 23 : i32
      %get3A_286 = arith.index_cast %get3A_285 : i32 to index
      %get3A_287 = arith.index_cast %mul3A_120 : i32 to index
      %get3A_288 = tpu.vector_load %arg5[%get3A_286, %get3A_287] {strides = array<i32>} : memref<50x256xi32, #tpu.memory_space<vmem>>, vector<16xi32>,
      %add3A_289 = arith.addi %add3A_282, %get3A_288 : vector<16xi32>
      %mul3A_290 = arith.muli %get3A_288, %get3A_288 : vector<16xi32>
      %add3A_291 = arith.addi %add3A_284, %mul3A_290 : vector<16xi32>
      %get3A_292 = arith.constant 24 : i32
      %get3A_293 = arith.index_cast %get3A_292 : i32 to index
      %get3A_294 = arith.index_cast %mul3A_120 : i32 to index
      %get3A_295 = tpu.vector_load %arg5[%get3A_293, %get3A_294] {strides = array<i32>} : memref<50x256xi32, #tpu.memory_space<vmem>>, vector<16xi32>,
      %add3A_296 = arith.addi %add3A_289, %get3A_295 : vector<16xi32>
      %mul3A_297 = arith.muli %get3A_295, %get3A_295 : vector<16xi32>
      %add3A_298 = arith.addi %add3A_291, %mul3A_297 : vector<16xi32>
      %get3A_299 = arith.constant 25 : i32
      %get3A_300 = arith.index_cast %get3A_299 : i32 to index
      %get3A_301 = arith.index_cast %mul3A_120 : i32 to index
      %get3A_302 = tpu.vector_load %arg5[%get3A_300, %get3A_301] {strides = array<i32>} : memref<50x256xi32, #tpu.memory_space<vmem>>, vector<16xi32>,
      %add3A_303 = arith.addi %add3A_296, %get3A_302 : vector<16xi32>
      %mul3A_304 = arith.muli %get3A_302, %get3A_302 : vector<16xi32>
      %add3A_305 = arith.addi %add3A_298, %mul3A_304 : vector<16xi32>
      %get3A_306 = arith.constant 26 : i32
      %get3A_307 = arith.index_cast %get3A_306 : i32 to index
      %get3A_308 = arith.index_cast %mul3A_120 : i32 to index
      %get3A_309 = tpu.vector_load %arg5[%get3A_307, %get3A_308] {strides = array<i32>} : memref<50x256xi32, #tpu.memory_space<vmem>>, vector<16xi32>,
      %add3A_310 = arith.addi %add3A_303, %get3A_309 : vector<16xi32>
      %mul3A_311 = arith.muli %get3A_309, %get3A_309 : vector<16xi32>
      %add3A_312 = arith.addi %add3A_305, %mul3A_311 : vector<16xi32>
      %get3A_313 = arith.constant 27 : i32
      %get3A_314 = arith.index_cast %get3A_313 : i32 to index
      %get3A_315 = arith.index_cast %mul3A_120 : i32 to index
      %get3A_316 = tpu.vector_load %arg5[%get3A_314, %get3A_315] {strides = array<i32>} : memref<50x256xi32, #tpu.memory_space<vmem>>, vector<16xi32>,
      %add3A_317 = arith.addi %add3A_310, %get3A_316 : vector<16xi32>
      %mul3A_318 = arith.muli %get3A_316, %get3A_316 : vector<16xi32>
      %add3A_319 = arith.addi %add3A_312, %mul3A_318 : vector<16xi32>
      %get3A_320 = arith.constant 28 : i32
      %get3A_321 = arith.index_cast %get3A_320 : i32 to index
      %get3A_322 = arith.index_cast %mul3A_120 : i32 to index
      %get3A_323 = tpu.vector_load %arg5[%get3A_321, %get3A_322] {strides = array<i32>} : memref<50x256xi32, #tpu.memory_space<vmem>>, vector<16xi32>,
      %add3A_324 = arith.addi %add3A_317, %get3A_323 : vector<16xi32>
      %mul3A_325 = arith.muli %get3A_323, %get3A_323 : vector<16xi32>
      %add3A_326 = arith.addi %add3A_319, %mul3A_325 : vector<16xi32>
      %get3A_327 = arith.constant 29 : i32
      %get3A_328 = arith.index_cast %get3A_327 : i32 to index
      %get3A_329 = arith.index_cast %mul3A_120 : i32 to index
      %get3A_330 = tpu.vector_load %arg5[%get3A_328, %get3A_329] {strides = array<i32>} : memref<50x256xi32, #tpu.memory_space<vmem>>, vector<16xi32>,
      %add3A_331 = arith.addi %add3A_324, %get3A_330 : vector<16xi32>
      %mul3A_332 = arith.muli %get3A_330, %get3A_330 : vector<16xi32>
      %add3A_333 = arith.addi %add3A_326, %mul3A_332 : vector<16xi32>
      %get3A_334 = arith.constant 30 : i32
      %get3A_335 = arith.index_cast %get3A_334 : i32 to index
      %get3A_336 = arith.index_cast %mul3A_120 : i32 to index
      %get3A_337 = tpu.vector_load %arg5[%get3A_335, %get3A_336] {strides = array<i32>} : memref<50x256xi32, #tpu.memory_space<vmem>>, vector<16xi32>,
      %add3A_338 = arith.addi %add3A_331, %get3A_337 : vector<16xi32>
      %mul3A_339 = arith.muli %get3A_337, %get3A_337 : vector<16xi32>
      %add3A_340 = arith.addi %add3A_333, %mul3A_339 : vector<16xi32>
      %get3A_341 = arith.constant 31 : i32
      %get3A_342 = arith.index_cast %get3A_341 : i32 to index
      %get3A_343 = arith.index_cast %mul3A_120 : i32 to index
      %get3A_344 = tpu.vector_load %arg5[%get3A_342, %get3A_343] {strides = array<i32>} : memref<50x256xi32, #tpu.memory_space<vmem>>, vector<16xi32>,
      %add3A_345 = arith.addi %add3A_338, %get3A_344 : vector<16xi32>
      %mul3A_346 = arith.muli %get3A_344, %get3A_344 : vector<16xi32>
      %add3A_347 = arith.addi %add3A_340, %mul3A_346 : vector<16xi32>
      %get3A_348 = arith.constant 32 : i32
      %get3A_349 = arith.index_cast %get3A_348 : i32 to index
      %get3A_350 = arith.index_cast %mul3A_120 : i32 to index
      %get3A_351 = tpu.vector_load %arg5[%get3A_349, %get3A_350] {strides = array<i32>} : memref<50x256xi32, #tpu.memory_space<vmem>>, vector<16xi32>,
      %add3A_352 = arith.addi %add3A_345, %get3A_351 : vector<16xi32>
      %mul3A_353 = arith.muli %get3A_351, %get3A_351 : vector<16xi32>
      %add3A_354 = arith.addi %add3A_347, %mul3A_353 : vector<16xi32>
      %get3A_355 = arith.constant 33 : i32
      %get3A_356 = arith.index_cast %get3A_355 : i32 to index
      %get3A_357 = arith.index_cast %mul3A_120 : i32 to index
      %get3A_358 = tpu.vector_load %arg5[%get3A_356, %get3A_357] {strides = array<i32>} : memref<50x256xi32, #tpu.memory_space<vmem>>, vector<16xi32>,
      %add3A_359 = arith.addi %add3A_352, %get3A_358 : vector<16xi32>
      %mul3A_360 = arith.muli %get3A_358, %get3A_358 : vector<16xi32>
      %add3A_361 = arith.addi %add3A_354, %mul3A_360 : vector<16xi32>
      %get3A_362 = arith.constant 34 : i32
      %get3A_363 = arith.index_cast %get3A_362 : i32 to index
      %get3A_364 = arith.index_cast %mul3A_120 : i32 to index
      %get3A_365 = tpu.vector_load %arg5[%get3A_363, %get3A_364] {strides = array<i32>} : memref<50x256xi32, #tpu.memory_space<vmem>>, vector<16xi32>,
      %add3A_366 = arith.addi %add3A_359, %get3A_365 : vector<16xi32>
      %mul3A_367 = arith.muli %get3A_365, %get3A_365 : vector<16xi32>
      %add3A_368 = arith.addi %add3A_361, %mul3A_367 : vector<16xi32>
      %get3A_369 = arith.constant 35 : i32
      %get3A_370 = arith.index_cast %get3A_369 : i32 to index
      %get3A_371 = arith.index_cast %mul3A_120 : i32 to index
      %get3A_372 = tpu.vector_load %arg5[%get3A_370, %get3A_371] {strides = array<i32>} : memref<50x256xi32, #tpu.memory_space<vmem>>, vector<16xi32>,
      %add3A_373 = arith.addi %add3A_366, %get3A_372 : vector<16xi32>
      %mul3A_374 = arith.muli %get3A_372, %get3A_372 : vector<16xi32>
      %add3A_375 = arith.addi %add3A_368, %mul3A_374 : vector<16xi32>
      %get3A_376 = arith.constant 36 : i32
      %get3A_377 = arith.index_cast %get3A_376 : i32 to index
      %get3A_378 = arith.index_cast %mul3A_120 : i32 to index
      %get3A_379 = tpu.vector_load %arg5[%get3A_377, %get3A_378] {strides = array<i32>} : memref<50x256xi32, #tpu.memory_space<vmem>>, vector<16xi32>,
      %add3A_380 = arith.addi %add3A_373, %get3A_379 : vector<16xi32>
      %mul3A_381 = arith.muli %get3A_379, %get3A_379 : vector<16xi32>
      %add3A_382 = arith.addi %add3A_375, %mul3A_381 : vector<16xi32>
      %get3A_383 = arith.constant 37 : i32
      %get3A_384 = arith.index_cast %get3A_383 : i32 to index
      %get3A_385 = arith.index_cast %mul3A_120 : i32 to index
      %get3A_386 = tpu.vector_load %arg5[%get3A_384, %get3A_385] {strides = array<i32>} : memref<50x256xi32, #tpu.memory_space<vmem>>, vector<16xi32>,
      %add3A_387 = arith.addi %add3A_380, %get3A_386 : vector<16xi32>
      %mul3A_388 = arith.muli %get3A_386, %get3A_386 : vector<16xi32>
      %add3A_389 = arith.addi %add3A_382, %mul3A_388 : vector<16xi32>
      %get3A_390 = arith.constant 38 : i32
      %get3A_391 = arith.index_cast %get3A_390 : i32 to index
      %get3A_392 = arith.index_cast %mul3A_120 : i32 to index
      %get3A_393 = tpu.vector_load %arg5[%get3A_391, %get3A_392] {strides = array<i32>} : memref<50x256xi32, #tpu.memory_space<vmem>>, vector<16xi32>,
      %add3A_394 = arith.addi %add3A_387, %get3A_393 : vector<16xi32>
      %mul3A_395 = arith.muli %get3A_393, %get3A_393 : vector<16xi32>
      %add3A_396 = arith.addi %add3A_389, %mul3A_395 : vector<16xi32>
      %get3A_397 = arith.constant 39 : i32
      %get3A_398 = arith.index_cast %get3A_397 : i32 to index
      %get3A_399 = arith.index_cast %mul3A_120 : i32 to index
      %get3A_400 = tpu.vector_load %arg5[%get3A_398, %get3A_399] {strides = array<i32>} : memref<50x256xi32, #tpu.memory_space<vmem>>, vector<16xi32>,
      %add3A_401 = arith.addi %add3A_394, %get3A_400 : vector<16xi32>
      %mul3A_402 = arith.muli %get3A_400, %get3A_400 : vector<16xi32>
      %add3A_403 = arith.addi %add3A_396, %mul3A_402 : vector<16xi32>
      %get3A_404 = arith.constant 40 : i32
      %get3A_405 = arith.index_cast %get3A_404 : i32 to index
      %get3A_406 = arith.index_cast %mul3A_120 : i32 to index
      %get3A_407 = tpu.vector_load %arg5[%get3A_405, %get3A_406] {strides = array<i32>} : memref<50x256xi32, #tpu.memory_space<vmem>>, vector<16xi32>,
      %add3A_408 = arith.addi %add3A_401, %get3A_407 : vector<16xi32>
      %mul3A_409 = arith.muli %get3A_407, %get3A_407 : vector<16xi32>
      %add3A_410 = arith.addi %add3A_403, %mul3A_409 : vector<16xi32>
      %get3A_411 = arith.constant 41 : i32
      %get3A_412 = arith.index_cast %get3A_411 : i32 to index
      %get3A_413 = arith.index_cast %mul3A_120 : i32 to index
      %get3A_414 = tpu.vector_load %arg5[%get3A_412, %get3A_413] {strides = array<i32>} : memref<50x256xi32, #tpu.memory_space<vmem>>, vector<16xi32>,
      %add3A_415 = arith.addi %add3A_408, %get3A_414 : vector<16xi32>
      %mul3A_416 = arith.muli %get3A_414, %get3A_414 : vector<16xi32>
      %add3A_417 = arith.addi %add3A_410, %mul3A_416 : vector<16xi32>
      %get3A_418 = arith.constant 42 : i32
      %get3A_419 = arith.index_cast %get3A_418 : i32 to index
      %get3A_420 = arith.index_cast %mul3A_120 : i32 to index
      %get3A_421 = tpu.vector_load %arg5[%get3A_419, %get3A_420] {strides = array<i32>} : memref<50x256xi32, #tpu.memory_space<vmem>>, vector<16xi32>,
      %add3A_422 = arith.addi %add3A_415, %get3A_421 : vector<16xi32>
      %mul3A_423 = arith.muli %get3A_421, %get3A_421 : vector<16xi32>
      %add3A_424 = arith.addi %add3A_417, %mul3A_423 : vector<16xi32>
      %get3A_425 = arith.constant 43 : i32
      %get3A_426 = arith.index_cast %get3A_425 : i32 to index
      %get3A_427 = arith.index_cast %mul3A_120 : i32 to index
      %get3A_428 = tpu.vector_load %arg5[%get3A_426, %get3A_427] {strides = array<i32>} : memref<50x256xi32, #tpu.memory_space<vmem>>, vector<16xi32>,
      %add3A_429 = arith.addi %add3A_422, %get3A_428 : vector<16xi32>
      %mul3A_430 = arith.muli %get3A_428, %get3A_428 : vector<16xi32>
      %add3A_431 = arith.addi %add3A_424, %mul3A_430 : vector<16xi32>
      %get3A_432 = arith.constant 44 : i32
      %get3A_433 = arith.index_cast %get3A_432 : i32 to index
      %get3A_434 = arith.index_cast %mul3A_120 : i32 to index
      %get3A_435 = tpu.vector_load %arg5[%get3A_433, %get3A_434] {strides = array<i32>} : memref<50x256xi32, #tpu.memory_space<vmem>>, vector<16xi32>,
      %add3A_436 = arith.addi %add3A_429, %get3A_435 : vector<16xi32>
      %mul3A_437 = arith.muli %get3A_435, %get3A_435 : vector<16xi32>
      %add3A_438 = arith.addi %add3A_431, %mul3A_437 : vector<16xi32>
      %get3A_439 = arith.constant 45 : i32
      %get3A_440 = arith.index_cast %get3A_439 : i32 to index
      %get3A_441 = arith.index_cast %mul3A_120 : i32 to index
      %get3A_442 = tpu.vector_load %arg5[%get3A_440, %get3A_441] {strides = array<i32>} : memref<50x256xi32, #tpu.memory_space<vmem>>, vector<16xi32>,
      %add3A_443 = arith.addi %add3A_436, %get3A_442 : vector<16xi32>
      %mul3A_444 = arith.muli %get3A_442, %get3A_442 : vector<16xi32>
      %add3A_445 = arith.addi %add3A_438, %mul3A_444 : vector<16xi32>
      %get3A_446 = arith.constant 46 : i32
      %get3A_447 = arith.index_cast %get3A_446 : i32 to index
      %get3A_448 = arith.index_cast %mul3A_120 : i32 to index
      %get3A_449 = tpu.vector_load %arg5[%get3A_447, %get3A_448] {strides = array<i32>} : memref<50x256xi32, #tpu.memory_space<vmem>>, vector<16xi32>,
      %add3A_450 = arith.addi %add3A_443, %get3A_449 : vector<16xi32>
      %mul3A_451 = arith.muli %get3A_449, %get3A_449 : vector<16xi32>
      %add3A_452 = arith.addi %add3A_445, %mul3A_451 : vector<16xi32>
      %get3A_453 = arith.constant 47 : i32
      %get3A_454 = arith.index_cast %get3A_453 : i32 to index
      %get3A_455 = arith.index_cast %mul3A_120 : i32 to index
      %get3A_456 = tpu.vector_load %arg5[%get3A_454, %get3A_455] {strides = array<i32>} : memref<50x256xi32, #tpu.memory_space<vmem>>, vector<16xi32>,
      %add3A_457 = arith.addi %add3A_450, %get3A_456 : vector<16xi32>
      %mul3A_458 = arith.muli %get3A_456, %get3A_456 : vector<16xi32>
      %add3A_459 = arith.addi %add3A_452, %mul3A_458 : vector<16xi32>
      %get3A_460 = arith.constant 48 : i32
      %get3A_461 = arith.index_cast %get3A_460 : i32 to index
      %get3A_462 = arith.index_cast %mul3A_120 : i32 to index
      %get3A_463 = tpu.vector_load %arg5[%get3A_461, %get3A_462] {strides = array<i32>} : memref<50x256xi32, #tpu.memory_space<vmem>>, vector<16xi32>,
      %add3A_464 = arith.addi %add3A_457, %get3A_463 : vector<16xi32>
      %mul3A_465 = arith.muli %get3A_463, %get3A_463 : vector<16xi32>
      %add3A_466 = arith.addi %add3A_459, %mul3A_465 : vector<16xi32>
      %get3A_467 = arith.constant 49 : i32
      %get3A_468 = arith.index_cast %get3A_467 : i32 to index
      %get3A_469 = arith.index_cast %mul3A_120 : i32 to index
      %get3A_470 = tpu.vector_load %arg5[%get3A_468, %get3A_469] {strides = array<i32>} : memref<50x256xi32, #tpu.memory_space<vmem>>, vector<16xi32>,
      %add3A_471 = arith.addi %add3A_464, %get3A_470 : vector<16xi32>
      %mul3A_472 = arith.muli %get3A_470, %get3A_470 : vector<16xi32>
      %add3A_473 = arith.addi %add3A_466, %mul3A_472 : vector<16xi32>
      %convert_element_type3A = arith.sitofp %add3A_471 : vector<16xi32> to vector<16xf32>
      %convert_element_type3A_474 = arith.sitofp %add3A_473 : vector<16xi32> to vector<16xf32>
      %mul3A_475 = vector.broadcast %sub3A : f32 to vector<16xf32>
      %mul3A_476 = arith.mulf %mul3A_475, %convert_element_type3A : vector<16xf32>
      %sub3A_477 = arith.subf %convert_element_type3A_474, %convert_element_type3A : vector<16xf32>
      %mul3A_478 = vector.broadcast %mul3A_95 : f32 to vector<16xf32>
      %mul3A_479 = arith.mulf %mul3A_478, %sub3A_477 : vector<16xf32>
      %add3A_480 = arith.addf %mul3A_476, %mul3A_479 : vector<16xf32>
      %mul3A_481 = arith.constant 2.000000e-02 : f32
      %mul3A_482 = vector.broadcast %mul3A_481 : f32 to vector<16xf32>
      %mul3A_483 = arith.mulf %add3A_480, %mul3A_482 : vector<16xf32>
      %add3A_484 = vector.broadcast %add3A_41 : f32 to vector<16xf32>
      %add3A_485 = arith.addf %add3A_484, %mul3A_483 : vector<16xf32>
      %add3A_486 = vector.broadcast %squeeze3A_89 : f32 to vector<16xf32>
      %add3A_487 = arith.addf %add3A_485, %add3A_486 : vector<16xf32>
      %neg3A = arith.constant 0.000000e+00 : f32
      %neg3A_488 = vector.broadcast %neg3A : f32 to vector<16xf32>
      %neg3A_489 = arith.subf %neg3A_488, %add3A_487 : vector<16xf32>
      %exp3A = math.exp %neg3A_489 : vector<16xf32>
      %add3A_490 = arith.constant 1.000000e+00 : f32
      %add3A_491 = vector.broadcast %add3A_490 : f32 to vector<16xf32>
      %add3A_492 = arith.addf %add3A_491, %exp3A : vector<16xf32>
      %div3A = arith.constant 1.000000e+00 : f32
      %div3A_493 = vector.broadcast %div3A : f32 to vector<16xf32>
      %div3A_494 = arith.divf %div3A_493, %add3A_492 : vector<16xf32>
      %add3A_495 = arith.constant 0 : i32
      %add3A_496 = arith.addi %add3A_495, %mul3A_120 : i32
      %swap3A = arith.index_cast %add3A_496 : i32 to index
      %swap3A_497 = tpu.vector_load %arg7[%swap3A] {strides = array<i32>} : memref<512xf32, #tpu.memory_space<vmem>>, vector<16xf32>,
      tpu.vector_store %arg7[%swap3A], %div3A_494 {strides = array<i32>} : memref<512xf32, #tpu.memory_space<vmem>>, vector<16xf32>,
    }
    %scan3A_105 = arith.constant 16 : i32
    %dma_wait3A_106 = arith.constant 1 : i32
    %dma_wait3A_107 = arith.constant 0 : i32
    %dma_wait3A_108 = tpu.memref_slice %arg2[%dma_wait3A_107, %add3A_4] : memref<50x16384xi32, #tpu.memory_space<hbm>> -> memref<50x256xi32, #tpu.memory_space<hbm>>
    %dma_wait3A_109 = tpu.memref_slice %arg9[%dma_wait3A_106] : memref<2x!tpu.dma_semaphore, #tpu.memory_space<semaphore_mem>> -> memref<1x!tpu.dma_semaphore, #tpu.memory_space<semaphore_mem>>
    %dma_wait3A_110 = tpu.memref_squeeze %dma_wait3A_109 : memref<1x!tpu.dma_semaphore, #tpu.memory_space<semaphore_mem>> -> memref<!tpu.dma_semaphore, #tpu.memory_space<semaphore_mem>>
    %dma_wait3A_111 = arith.constant 0 : i32
    %dma_wait3A_112 = tpu.memref_slice %arg2[%dma_wait3A_111, %add3A_4] : memref<50x16384xi32, #tpu.memory_space<hbm>> -> memref<50x256xi32, #tpu.memory_space<hbm>>
    tpu.wait_dma2 semaphore(%dma_wait3A_110 : memref<!tpu.dma_semaphore, #tpu.memory_space<semaphore_mem>>) src(%dma_wait3A_112 : memref<50x256xi32, #tpu.memory_space<hbm>>) dst(%arg6 : memref<50x256xi32, #tpu.memory_space<vmem>>)
    %scan3A_113 = arith.constant 0 : i32
    %scan3A_114 = arith.constant 16 : i32
    %scan3A_115 = arith.addi %scan3A_113, %scan3A_114 : i32
    %scan3A_116 = arith.constant 1 : i32
    scf.for %scan3A_118 = %scan3A_113 to %scan3A_115 step %scan3A_116  : i32 {
      %mul3A_119 = arith.constant 16 : i32
      %mul3A_120 = arith.muli %scan3A_118, %mul3A_119 : i32
      %broadcast_in_dim3A = arith.constant 0 : i32
      %broadcast_in_dim3A_121 = vector.broadcast %broadcast_in_dim3A : i32 to vector<16xi32>
      %broadcast_in_dim3A_122 = arith.constant 0 : i32
      %broadcast_in_dim3A_123 = vector.broadcast %broadcast_in_dim3A_122 : i32 to vector<16xi32>
      %get3A_124 = arith.constant 0 : i32
      %get3A_125 = arith.index_cast %get3A_124 : i32 to index
      %get3A_126 = arith.index_cast %mul3A_120 : i32 to index
      %get3A_127 = tpu.vector_load %arg6[%get3A_125, %get3A_126] {strides = array<i32>} : memref<50x256xi32, #tpu.memory_space<vmem>>, vector<16xi32>,
      %add3A_128 = arith.addi %broadcast_in_dim3A_121, %get3A_127 : vector<16xi32>
      %mul3A_129 = arith.muli %get3A_127, %get3A_127 : vector<16xi32>
      %add3A_130 = arith.addi %broadcast_in_dim3A_123, %mul3A_129 : vector<16xi32>
      %get3A_131 = arith.constant 1 : i32
      %get3A_132 = arith.index_cast %get3A_131 : i32 to index
      %get3A_133 = arith.index_cast %mul3A_120 : i32 to index
      %get3A_134 = tpu.vector_load %arg6[%get3A_132, %get3A_133] {strides = array<i32>} : memref<50x256xi32, #tpu.memory_space<vmem>>, vector<16xi32>,
      %add3A_135 = arith.addi %add3A_128, %get3A_134 : vector<16xi32>
      %mul3A_136 = arith.muli %get3A_134, %get3A_134 : vector<16xi32>
      %add3A_137 = arith.addi %add3A_130, %mul3A_136 : vector<16xi32>
      %get3A_138 = arith.constant 2 : i32
      %get3A_139 = arith.index_cast %get3A_138 : i32 to index
      %get3A_140 = arith.index_cast %mul3A_120 : i32 to index
      %get3A_141 = tpu.vector_load %arg6[%get3A_139, %get3A_140] {strides = array<i32>} : memref<50x256xi32, #tpu.memory_space<vmem>>, vector<16xi32>,
      %add3A_142 = arith.addi %add3A_135, %get3A_141 : vector<16xi32>
      %mul3A_143 = arith.muli %get3A_141, %get3A_141 : vector<16xi32>
      %add3A_144 = arith.addi %add3A_137, %mul3A_143 : vector<16xi32>
      %get3A_145 = arith.constant 3 : i32
      %get3A_146 = arith.index_cast %get3A_145 : i32 to index
      %get3A_147 = arith.index_cast %mul3A_120 : i32 to index
      %get3A_148 = tpu.vector_load %arg6[%get3A_146, %get3A_147] {strides = array<i32>} : memref<50x256xi32, #tpu.memory_space<vmem>>, vector<16xi32>,
      %add3A_149 = arith.addi %add3A_142, %get3A_148 : vector<16xi32>
      %mul3A_150 = arith.muli %get3A_148, %get3A_148 : vector<16xi32>
      %add3A_151 = arith.addi %add3A_144, %mul3A_150 : vector<16xi32>
      %get3A_152 = arith.constant 4 : i32
      %get3A_153 = arith.index_cast %get3A_152 : i32 to index
      %get3A_154 = arith.index_cast %mul3A_120 : i32 to index
      %get3A_155 = tpu.vector_load %arg6[%get3A_153, %get3A_154] {strides = array<i32>} : memref<50x256xi32, #tpu.memory_space<vmem>>, vector<16xi32>,
      %add3A_156 = arith.addi %add3A_149, %get3A_155 : vector<16xi32>
      %mul3A_157 = arith.muli %get3A_155, %get3A_155 : vector<16xi32>
      %add3A_158 = arith.addi %add3A_151, %mul3A_157 : vector<16xi32>
      %get3A_159 = arith.constant 5 : i32
      %get3A_160 = arith.index_cast %get3A_159 : i32 to index
      %get3A_161 = arith.index_cast %mul3A_120 : i32 to index
      %get3A_162 = tpu.vector_load %arg6[%get3A_160, %get3A_161] {strides = array<i32>} : memref<50x256xi32, #tpu.memory_space<vmem>>, vector<16xi32>,
      %add3A_163 = arith.addi %add3A_156, %get3A_162 : vector<16xi32>
      %mul3A_164 = arith.muli %get3A_162, %get3A_162 : vector<16xi32>
      %add3A_165 = arith.addi %add3A_158, %mul3A_164 : vector<16xi32>
      %get3A_166 = arith.constant 6 : i32
      %get3A_167 = arith.index_cast %get3A_166 : i32 to index
      %get3A_168 = arith.index_cast %mul3A_120 : i32 to index
      %get3A_169 = tpu.vector_load %arg6[%get3A_167, %get3A_168] {strides = array<i32>} : memref<50x256xi32, #tpu.memory_space<vmem>>, vector<16xi32>,
      %add3A_170 = arith.addi %add3A_163, %get3A_169 : vector<16xi32>
      %mul3A_171 = arith.muli %get3A_169, %get3A_169 : vector<16xi32>
      %add3A_172 = arith.addi %add3A_165, %mul3A_171 : vector<16xi32>
      %get3A_173 = arith.constant 7 : i32
      %get3A_174 = arith.index_cast %get3A_173 : i32 to index
      %get3A_175 = arith.index_cast %mul3A_120 : i32 to index
      %get3A_176 = tpu.vector_load %arg6[%get3A_174, %get3A_175] {strides = array<i32>} : memref<50x256xi32, #tpu.memory_space<vmem>>, vector<16xi32>,
      %add3A_177 = arith.addi %add3A_170, %get3A_176 : vector<16xi32>
      %mul3A_178 = arith.muli %get3A_176, %get3A_176 : vector<16xi32>
      %add3A_179 = arith.addi %add3A_172, %mul3A_178 : vector<16xi32>
      %get3A_180 = arith.constant 8 : i32
      %get3A_181 = arith.index_cast %get3A_180 : i32 to index
      %get3A_182 = arith.index_cast %mul3A_120 : i32 to index
      %get3A_183 = tpu.vector_load %arg6[%get3A_181, %get3A_182] {strides = array<i32>} : memref<50x256xi32, #tpu.memory_space<vmem>>, vector<16xi32>,
      %add3A_184 = arith.addi %add3A_177, %get3A_183 : vector<16xi32>
      %mul3A_185 = arith.muli %get3A_183, %get3A_183 : vector<16xi32>
      %add3A_186 = arith.addi %add3A_179, %mul3A_185 : vector<16xi32>
      %get3A_187 = arith.constant 9 : i32
      %get3A_188 = arith.index_cast %get3A_187 : i32 to index
      %get3A_189 = arith.index_cast %mul3A_120 : i32 to index
      %get3A_190 = tpu.vector_load %arg6[%get3A_188, %get3A_189] {strides = array<i32>} : memref<50x256xi32, #tpu.memory_space<vmem>>, vector<16xi32>,
      %add3A_191 = arith.addi %add3A_184, %get3A_190 : vector<16xi32>
      %mul3A_192 = arith.muli %get3A_190, %get3A_190 : vector<16xi32>
      %add3A_193 = arith.addi %add3A_186, %mul3A_192 : vector<16xi32>
      %get3A_194 = arith.constant 10 : i32
      %get3A_195 = arith.index_cast %get3A_194 : i32 to index
      %get3A_196 = arith.index_cast %mul3A_120 : i32 to index
      %get3A_197 = tpu.vector_load %arg6[%get3A_195, %get3A_196] {strides = array<i32>} : memref<50x256xi32, #tpu.memory_space<vmem>>, vector<16xi32>,
      %add3A_198 = arith.addi %add3A_191, %get3A_197 : vector<16xi32>
      %mul3A_199 = arith.muli %get3A_197, %get3A_197 : vector<16xi32>
      %add3A_200 = arith.addi %add3A_193, %mul3A_199 : vector<16xi32>
      %get3A_201 = arith.constant 11 : i32
      %get3A_202 = arith.index_cast %get3A_201 : i32 to index
      %get3A_203 = arith.index_cast %mul3A_120 : i32 to index
      %get3A_204 = tpu.vector_load %arg6[%get3A_202, %get3A_203] {strides = array<i32>} : memref<50x256xi32, #tpu.memory_space<vmem>>, vector<16xi32>,
      %add3A_205 = arith.addi %add3A_198, %get3A_204 : vector<16xi32>
      %mul3A_206 = arith.muli %get3A_204, %get3A_204 : vector<16xi32>
      %add3A_207 = arith.addi %add3A_200, %mul3A_206 : vector<16xi32>
      %get3A_208 = arith.constant 12 : i32
      %get3A_209 = arith.index_cast %get3A_208 : i32 to index
      %get3A_210 = arith.index_cast %mul3A_120 : i32 to index
      %get3A_211 = tpu.vector_load %arg6[%get3A_209, %get3A_210] {strides = array<i32>} : memref<50x256xi32, #tpu.memory_space<vmem>>, vector<16xi32>,
      %add3A_212 = arith.addi %add3A_205, %get3A_211 : vector<16xi32>
      %mul3A_213 = arith.muli %get3A_211, %get3A_211 : vector<16xi32>
      %add3A_214 = arith.addi %add3A_207, %mul3A_213 : vector<16xi32>
      %get3A_215 = arith.constant 13 : i32
      %get3A_216 = arith.index_cast %get3A_215 : i32 to index
      %get3A_217 = arith.index_cast %mul3A_120 : i32 to index
      %get3A_218 = tpu.vector_load %arg6[%get3A_216, %get3A_217] {strides = array<i32>} : memref<50x256xi32, #tpu.memory_space<vmem>>, vector<16xi32>,
      %add3A_219 = arith.addi %add3A_212, %get3A_218 : vector<16xi32>
      %mul3A_220 = arith.muli %get3A_218, %get3A_218 : vector<16xi32>
      %add3A_221 = arith.addi %add3A_214, %mul3A_220 : vector<16xi32>
      %get3A_222 = arith.constant 14 : i32
      %get3A_223 = arith.index_cast %get3A_222 : i32 to index
      %get3A_224 = arith.index_cast %mul3A_120 : i32 to index
      %get3A_225 = tpu.vector_load %arg6[%get3A_223, %get3A_224] {strides = array<i32>} : memref<50x256xi32, #tpu.memory_space<vmem>>, vector<16xi32>,
      %add3A_226 = arith.addi %add3A_219, %get3A_225 : vector<16xi32>
      %mul3A_227 = arith.muli %get3A_225, %get3A_225 : vector<16xi32>
      %add3A_228 = arith.addi %add3A_221, %mul3A_227 : vector<16xi32>
      %get3A_229 = arith.constant 15 : i32
      %get3A_230 = arith.index_cast %get3A_229 : i32 to index
      %get3A_231 = arith.index_cast %mul3A_120 : i32 to index
      %get3A_232 = tpu.vector_load %arg6[%get3A_230, %get3A_231] {strides = array<i32>} : memref<50x256xi32, #tpu.memory_space<vmem>>, vector<16xi32>,
      %add3A_233 = arith.addi %add3A_226, %get3A_232 : vector<16xi32>
      %mul3A_234 = arith.muli %get3A_232, %get3A_232 : vector<16xi32>
      %add3A_235 = arith.addi %add3A_228, %mul3A_234 : vector<16xi32>
      %get3A_236 = arith.constant 16 : i32
      %get3A_237 = arith.index_cast %get3A_236 : i32 to index
      %get3A_238 = arith.index_cast %mul3A_120 : i32 to index
      %get3A_239 = tpu.vector_load %arg6[%get3A_237, %get3A_238] {strides = array<i32>} : memref<50x256xi32, #tpu.memory_space<vmem>>, vector<16xi32>,
      %add3A_240 = arith.addi %add3A_233, %get3A_239 : vector<16xi32>
      %mul3A_241 = arith.muli %get3A_239, %get3A_239 : vector<16xi32>
      %add3A_242 = arith.addi %add3A_235, %mul3A_241 : vector<16xi32>
      %get3A_243 = arith.constant 17 : i32
      %get3A_244 = arith.index_cast %get3A_243 : i32 to index
      %get3A_245 = arith.index_cast %mul3A_120 : i32 to index
      %get3A_246 = tpu.vector_load %arg6[%get3A_244, %get3A_245] {strides = array<i32>} : memref<50x256xi32, #tpu.memory_space<vmem>>, vector<16xi32>,
      %add3A_247 = arith.addi %add3A_240, %get3A_246 : vector<16xi32>
      %mul3A_248 = arith.muli %get3A_246, %get3A_246 : vector<16xi32>
      %add3A_249 = arith.addi %add3A_242, %mul3A_248 : vector<16xi32>
      %get3A_250 = arith.constant 18 : i32
      %get3A_251 = arith.index_cast %get3A_250 : i32 to index
      %get3A_252 = arith.index_cast %mul3A_120 : i32 to index
      %get3A_253 = tpu.vector_load %arg6[%get3A_251, %get3A_252] {strides = array<i32>} : memref<50x256xi32, #tpu.memory_space<vmem>>, vector<16xi32>,
      %add3A_254 = arith.addi %add3A_247, %get3A_253 : vector<16xi32>
      %mul3A_255 = arith.muli %get3A_253, %get3A_253 : vector<16xi32>
      %add3A_256 = arith.addi %add3A_249, %mul3A_255 : vector<16xi32>
      %get3A_257 = arith.constant 19 : i32
      %get3A_258 = arith.index_cast %get3A_257 : i32 to index
      %get3A_259 = arith.index_cast %mul3A_120 : i32 to index
      %get3A_260 = tpu.vector_load %arg6[%get3A_258, %get3A_259] {strides = array<i32>} : memref<50x256xi32, #tpu.memory_space<vmem>>, vector<16xi32>,
      %add3A_261 = arith.addi %add3A_254, %get3A_260 : vector<16xi32>
      %mul3A_262 = arith.muli %get3A_260, %get3A_260 : vector<16xi32>
      %add3A_263 = arith.addi %add3A_256, %mul3A_262 : vector<16xi32>
      %get3A_264 = arith.constant 20 : i32
      %get3A_265 = arith.index_cast %get3A_264 : i32 to index
      %get3A_266 = arith.index_cast %mul3A_120 : i32 to index
      %get3A_267 = tpu.vector_load %arg6[%get3A_265, %get3A_266] {strides = array<i32>} : memref<50x256xi32, #tpu.memory_space<vmem>>, vector<16xi32>,
      %add3A_268 = arith.addi %add3A_261, %get3A_267 : vector<16xi32>
      %mul3A_269 = arith.muli %get3A_267, %get3A_267 : vector<16xi32>
      %add3A_270 = arith.addi %add3A_263, %mul3A_269 : vector<16xi32>
      %get3A_271 = arith.constant 21 : i32
      %get3A_272 = arith.index_cast %get3A_271 : i32 to index
      %get3A_273 = arith.index_cast %mul3A_120 : i32 to index
      %get3A_274 = tpu.vector_load %arg6[%get3A_272, %get3A_273] {strides = array<i32>} : memref<50x256xi32, #tpu.memory_space<vmem>>, vector<16xi32>,
      %add3A_275 = arith.addi %add3A_268, %get3A_274 : vector<16xi32>
      %mul3A_276 = arith.muli %get3A_274, %get3A_274 : vector<16xi32>
      %add3A_277 = arith.addi %add3A_270, %mul3A_276 : vector<16xi32>
      %get3A_278 = arith.constant 22 : i32
      %get3A_279 = arith.index_cast %get3A_278 : i32 to index
      %get3A_280 = arith.index_cast %mul3A_120 : i32 to index
      %get3A_281 = tpu.vector_load %arg6[%get3A_279, %get3A_280] {strides = array<i32>} : memref<50x256xi32, #tpu.memory_space<vmem>>, vector<16xi32>,
      %add3A_282 = arith.addi %add3A_275, %get3A_281 : vector<16xi32>
      %mul3A_283 = arith.muli %get3A_281, %get3A_281 : vector<16xi32>
      %add3A_284 = arith.addi %add3A_277, %mul3A_283 : vector<16xi32>
      %get3A_285 = arith.constant 23 : i32
      %get3A_286 = arith.index_cast %get3A_285 : i32 to index
      %get3A_287 = arith.index_cast %mul3A_120 : i32 to index
      %get3A_288 = tpu.vector_load %arg6[%get3A_286, %get3A_287] {strides = array<i32>} : memref<50x256xi32, #tpu.memory_space<vmem>>, vector<16xi32>,
      %add3A_289 = arith.addi %add3A_282, %get3A_288 : vector<16xi32>
      %mul3A_290 = arith.muli %get3A_288, %get3A_288 : vector<16xi32>
      %add3A_291 = arith.addi %add3A_284, %mul3A_290 : vector<16xi32>
      %get3A_292 = arith.constant 24 : i32
      %get3A_293 = arith.index_cast %get3A_292 : i32 to index
      %get3A_294 = arith.index_cast %mul3A_120 : i32 to index
      %get3A_295 = tpu.vector_load %arg6[%get3A_293, %get3A_294] {strides = array<i32>} : memref<50x256xi32, #tpu.memory_space<vmem>>, vector<16xi32>,
      %add3A_296 = arith.addi %add3A_289, %get3A_295 : vector<16xi32>
      %mul3A_297 = arith.muli %get3A_295, %get3A_295 : vector<16xi32>
      %add3A_298 = arith.addi %add3A_291, %mul3A_297 : vector<16xi32>
      %get3A_299 = arith.constant 25 : i32
      %get3A_300 = arith.index_cast %get3A_299 : i32 to index
      %get3A_301 = arith.index_cast %mul3A_120 : i32 to index
      %get3A_302 = tpu.vector_load %arg6[%get3A_300, %get3A_301] {strides = array<i32>} : memref<50x256xi32, #tpu.memory_space<vmem>>, vector<16xi32>,
      %add3A_303 = arith.addi %add3A_296, %get3A_302 : vector<16xi32>
      %mul3A_304 = arith.muli %get3A_302, %get3A_302 : vector<16xi32>
      %add3A_305 = arith.addi %add3A_298, %mul3A_304 : vector<16xi32>
      %get3A_306 = arith.constant 26 : i32
      %get3A_307 = arith.index_cast %get3A_306 : i32 to index
      %get3A_308 = arith.index_cast %mul3A_120 : i32 to index
      %get3A_309 = tpu.vector_load %arg6[%get3A_307, %get3A_308] {strides = array<i32>} : memref<50x256xi32, #tpu.memory_space<vmem>>, vector<16xi32>,
      %add3A_310 = arith.addi %add3A_303, %get3A_309 : vector<16xi32>
      %mul3A_311 = arith.muli %get3A_309, %get3A_309 : vector<16xi32>
      %add3A_312 = arith.addi %add3A_305, %mul3A_311 : vector<16xi32>
      %get3A_313 = arith.constant 27 : i32
      %get3A_314 = arith.index_cast %get3A_313 : i32 to index
      %get3A_315 = arith.index_cast %mul3A_120 : i32 to index
      %get3A_316 = tpu.vector_load %arg6[%get3A_314, %get3A_315] {strides = array<i32>} : memref<50x256xi32, #tpu.memory_space<vmem>>, vector<16xi32>,
      %add3A_317 = arith.addi %add3A_310, %get3A_316 : vector<16xi32>
      %mul3A_318 = arith.muli %get3A_316, %get3A_316 : vector<16xi32>
      %add3A_319 = arith.addi %add3A_312, %mul3A_318 : vector<16xi32>
      %get3A_320 = arith.constant 28 : i32
      %get3A_321 = arith.index_cast %get3A_320 : i32 to index
      %get3A_322 = arith.index_cast %mul3A_120 : i32 to index
      %get3A_323 = tpu.vector_load %arg6[%get3A_321, %get3A_322] {strides = array<i32>} : memref<50x256xi32, #tpu.memory_space<vmem>>, vector<16xi32>,
      %add3A_324 = arith.addi %add3A_317, %get3A_323 : vector<16xi32>
      %mul3A_325 = arith.muli %get3A_323, %get3A_323 : vector<16xi32>
      %add3A_326 = arith.addi %add3A_319, %mul3A_325 : vector<16xi32>
      %get3A_327 = arith.constant 29 : i32
      %get3A_328 = arith.index_cast %get3A_327 : i32 to index
      %get3A_329 = arith.index_cast %mul3A_120 : i32 to index
      %get3A_330 = tpu.vector_load %arg6[%get3A_328, %get3A_329] {strides = array<i32>} : memref<50x256xi32, #tpu.memory_space<vmem>>, vector<16xi32>,
      %add3A_331 = arith.addi %add3A_324, %get3A_330 : vector<16xi32>
      %mul3A_332 = arith.muli %get3A_330, %get3A_330 : vector<16xi32>
      %add3A_333 = arith.addi %add3A_326, %mul3A_332 : vector<16xi32>
      %get3A_334 = arith.constant 30 : i32
      %get3A_335 = arith.index_cast %get3A_334 : i32 to index
      %get3A_336 = arith.index_cast %mul3A_120 : i32 to index
      %get3A_337 = tpu.vector_load %arg6[%get3A_335, %get3A_336] {strides = array<i32>} : memref<50x256xi32, #tpu.memory_space<vmem>>, vector<16xi32>,
      %add3A_338 = arith.addi %add3A_331, %get3A_337 : vector<16xi32>
      %mul3A_339 = arith.muli %get3A_337, %get3A_337 : vector<16xi32>
      %add3A_340 = arith.addi %add3A_333, %mul3A_339 : vector<16xi32>
      %get3A_341 = arith.constant 31 : i32
      %get3A_342 = arith.index_cast %get3A_341 : i32 to index
      %get3A_343 = arith.index_cast %mul3A_120 : i32 to index
      %get3A_344 = tpu.vector_load %arg6[%get3A_342, %get3A_343] {strides = array<i32>} : memref<50x256xi32, #tpu.memory_space<vmem>>, vector<16xi32>,
      %add3A_345 = arith.addi %add3A_338, %get3A_344 : vector<16xi32>
      %mul3A_346 = arith.muli %get3A_344, %get3A_344 : vector<16xi32>
      %add3A_347 = arith.addi %add3A_340, %mul3A_346 : vector<16xi32>
      %get3A_348 = arith.constant 32 : i32
      %get3A_349 = arith.index_cast %get3A_348 : i32 to index
      %get3A_350 = arith.index_cast %mul3A_120 : i32 to index
      %get3A_351 = tpu.vector_load %arg6[%get3A_349, %get3A_350] {strides = array<i32>} : memref<50x256xi32, #tpu.memory_space<vmem>>, vector<16xi32>,
      %add3A_352 = arith.addi %add3A_345, %get3A_351 : vector<16xi32>
      %mul3A_353 = arith.muli %get3A_351, %get3A_351 : vector<16xi32>
      %add3A_354 = arith.addi %add3A_347, %mul3A_353 : vector<16xi32>
      %get3A_355 = arith.constant 33 : i32
      %get3A_356 = arith.index_cast %get3A_355 : i32 to index
      %get3A_357 = arith.index_cast %mul3A_120 : i32 to index
      %get3A_358 = tpu.vector_load %arg6[%get3A_356, %get3A_357] {strides = array<i32>} : memref<50x256xi32, #tpu.memory_space<vmem>>, vector<16xi32>,
      %add3A_359 = arith.addi %add3A_352, %get3A_358 : vector<16xi32>
      %mul3A_360 = arith.muli %get3A_358, %get3A_358 : vector<16xi32>
      %add3A_361 = arith.addi %add3A_354, %mul3A_360 : vector<16xi32>
      %get3A_362 = arith.constant 34 : i32
      %get3A_363 = arith.index_cast %get3A_362 : i32 to index
      %get3A_364 = arith.index_cast %mul3A_120 : i32 to index
      %get3A_365 = tpu.vector_load %arg6[%get3A_363, %get3A_364] {strides = array<i32>} : memref<50x256xi32, #tpu.memory_space<vmem>>, vector<16xi32>,
      %add3A_366 = arith.addi %add3A_359, %get3A_365 : vector<16xi32>
      %mul3A_367 = arith.muli %get3A_365, %get3A_365 : vector<16xi32>
      %add3A_368 = arith.addi %add3A_361, %mul3A_367 : vector<16xi32>
      %get3A_369 = arith.constant 35 : i32
      %get3A_370 = arith.index_cast %get3A_369 : i32 to index
      %get3A_371 = arith.index_cast %mul3A_120 : i32 to index
      %get3A_372 = tpu.vector_load %arg6[%get3A_370, %get3A_371] {strides = array<i32>} : memref<50x256xi32, #tpu.memory_space<vmem>>, vector<16xi32>,
      %add3A_373 = arith.addi %add3A_366, %get3A_372 : vector<16xi32>
      %mul3A_374 = arith.muli %get3A_372, %get3A_372 : vector<16xi32>
      %add3A_375 = arith.addi %add3A_368, %mul3A_374 : vector<16xi32>
      %get3A_376 = arith.constant 36 : i32
      %get3A_377 = arith.index_cast %get3A_376 : i32 to index
      %get3A_378 = arith.index_cast %mul3A_120 : i32 to index
      %get3A_379 = tpu.vector_load %arg6[%get3A_377, %get3A_378] {strides = array<i32>} : memref<50x256xi32, #tpu.memory_space<vmem>>, vector<16xi32>,
      %add3A_380 = arith.addi %add3A_373, %get3A_379 : vector<16xi32>
      %mul3A_381 = arith.muli %get3A_379, %get3A_379 : vector<16xi32>
      %add3A_382 = arith.addi %add3A_375, %mul3A_381 : vector<16xi32>
      %get3A_383 = arith.constant 37 : i32
      %get3A_384 = arith.index_cast %get3A_383 : i32 to index
      %get3A_385 = arith.index_cast %mul3A_120 : i32 to index
      %get3A_386 = tpu.vector_load %arg6[%get3A_384, %get3A_385] {strides = array<i32>} : memref<50x256xi32, #tpu.memory_space<vmem>>, vector<16xi32>,
      %add3A_387 = arith.addi %add3A_380, %get3A_386 : vector<16xi32>
      %mul3A_388 = arith.muli %get3A_386, %get3A_386 : vector<16xi32>
      %add3A_389 = arith.addi %add3A_382, %mul3A_388 : vector<16xi32>
      %get3A_390 = arith.constant 38 : i32
      %get3A_391 = arith.index_cast %get3A_390 : i32 to index
      %get3A_392 = arith.index_cast %mul3A_120 : i32 to index
      %get3A_393 = tpu.vector_load %arg6[%get3A_391, %get3A_392] {strides = array<i32>} : memref<50x256xi32, #tpu.memory_space<vmem>>, vector<16xi32>,
      %add3A_394 = arith.addi %add3A_387, %get3A_393 : vector<16xi32>
      %mul3A_395 = arith.muli %get3A_393, %get3A_393 : vector<16xi32>
      %add3A_396 = arith.addi %add3A_389, %mul3A_395 : vector<16xi32>
      %get3A_397 = arith.constant 39 : i32
      %get3A_398 = arith.index_cast %get3A_397 : i32 to index
      %get3A_399 = arith.index_cast %mul3A_120 : i32 to index
      %get3A_400 = tpu.vector_load %arg6[%get3A_398, %get3A_399] {strides = array<i32>} : memref<50x256xi32, #tpu.memory_space<vmem>>, vector<16xi32>,
      %add3A_401 = arith.addi %add3A_394, %get3A_400 : vector<16xi32>
      %mul3A_402 = arith.muli %get3A_400, %get3A_400 : vector<16xi32>
      %add3A_403 = arith.addi %add3A_396, %mul3A_402 : vector<16xi32>
      %get3A_404 = arith.constant 40 : i32
      %get3A_405 = arith.index_cast %get3A_404 : i32 to index
      %get3A_406 = arith.index_cast %mul3A_120 : i32 to index
      %get3A_407 = tpu.vector_load %arg6[%get3A_405, %get3A_406] {strides = array<i32>} : memref<50x256xi32, #tpu.memory_space<vmem>>, vector<16xi32>,
      %add3A_408 = arith.addi %add3A_401, %get3A_407 : vector<16xi32>
      %mul3A_409 = arith.muli %get3A_407, %get3A_407 : vector<16xi32>
      %add3A_410 = arith.addi %add3A_403, %mul3A_409 : vector<16xi32>
      %get3A_411 = arith.constant 41 : i32
      %get3A_412 = arith.index_cast %get3A_411 : i32 to index
      %get3A_413 = arith.index_cast %mul3A_120 : i32 to index
      %get3A_414 = tpu.vector_load %arg6[%get3A_412, %get3A_413] {strides = array<i32>} : memref<50x256xi32, #tpu.memory_space<vmem>>, vector<16xi32>,
      %add3A_415 = arith.addi %add3A_408, %get3A_414 : vector<16xi32>
      %mul3A_416 = arith.muli %get3A_414, %get3A_414 : vector<16xi32>
      %add3A_417 = arith.addi %add3A_410, %mul3A_416 : vector<16xi32>
      %get3A_418 = arith.constant 42 : i32
      %get3A_419 = arith.index_cast %get3A_418 : i32 to index
      %get3A_420 = arith.index_cast %mul3A_120 : i32 to index
      %get3A_421 = tpu.vector_load %arg6[%get3A_419, %get3A_420] {strides = array<i32>} : memref<50x256xi32, #tpu.memory_space<vmem>>, vector<16xi32>,
      %add3A_422 = arith.addi %add3A_415, %get3A_421 : vector<16xi32>
      %mul3A_423 = arith.muli %get3A_421, %get3A_421 : vector<16xi32>
      %add3A_424 = arith.addi %add3A_417, %mul3A_423 : vector<16xi32>
      %get3A_425 = arith.constant 43 : i32
      %get3A_426 = arith.index_cast %get3A_425 : i32 to index
      %get3A_427 = arith.index_cast %mul3A_120 : i32 to index
      %get3A_428 = tpu.vector_load %arg6[%get3A_426, %get3A_427] {strides = array<i32>} : memref<50x256xi32, #tpu.memory_space<vmem>>, vector<16xi32>,
      %add3A_429 = arith.addi %add3A_422, %get3A_428 : vector<16xi32>
      %mul3A_430 = arith.muli %get3A_428, %get3A_428 : vector<16xi32>
      %add3A_431 = arith.addi %add3A_424, %mul3A_430 : vector<16xi32>
      %get3A_432 = arith.constant 44 : i32
      %get3A_433 = arith.index_cast %get3A_432 : i32 to index
      %get3A_434 = arith.index_cast %mul3A_120 : i32 to index
      %get3A_435 = tpu.vector_load %arg6[%get3A_433, %get3A_434] {strides = array<i32>} : memref<50x256xi32, #tpu.memory_space<vmem>>, vector<16xi32>,
      %add3A_436 = arith.addi %add3A_429, %get3A_435 : vector<16xi32>
      %mul3A_437 = arith.muli %get3A_435, %get3A_435 : vector<16xi32>
      %add3A_438 = arith.addi %add3A_431, %mul3A_437 : vector<16xi32>
      %get3A_439 = arith.constant 45 : i32
      %get3A_440 = arith.index_cast %get3A_439 : i32 to index
      %get3A_441 = arith.index_cast %mul3A_120 : i32 to index
      %get3A_442 = tpu.vector_load %arg6[%get3A_440, %get3A_441] {strides = array<i32>} : memref<50x256xi32, #tpu.memory_space<vmem>>, vector<16xi32>,
      %add3A_443 = arith.addi %add3A_436, %get3A_442 : vector<16xi32>
      %mul3A_444 = arith.muli %get3A_442, %get3A_442 : vector<16xi32>
      %add3A_445 = arith.addi %add3A_438, %mul3A_444 : vector<16xi32>
      %get3A_446 = arith.constant 46 : i32
      %get3A_447 = arith.index_cast %get3A_446 : i32 to index
      %get3A_448 = arith.index_cast %mul3A_120 : i32 to index
      %get3A_449 = tpu.vector_load %arg6[%get3A_447, %get3A_448] {strides = array<i32>} : memref<50x256xi32, #tpu.memory_space<vmem>>, vector<16xi32>,
      %add3A_450 = arith.addi %add3A_443, %get3A_449 : vector<16xi32>
      %mul3A_451 = arith.muli %get3A_449, %get3A_449 : vector<16xi32>
      %add3A_452 = arith.addi %add3A_445, %mul3A_451 : vector<16xi32>
      %get3A_453 = arith.constant 47 : i32
      %get3A_454 = arith.index_cast %get3A_453 : i32 to index
      %get3A_455 = arith.index_cast %mul3A_120 : i32 to index
      %get3A_456 = tpu.vector_load %arg6[%get3A_454, %get3A_455] {strides = array<i32>} : memref<50x256xi32, #tpu.memory_space<vmem>>, vector<16xi32>,
      %add3A_457 = arith.addi %add3A_450, %get3A_456 : vector<16xi32>
      %mul3A_458 = arith.muli %get3A_456, %get3A_456 : vector<16xi32>
      %add3A_459 = arith.addi %add3A_452, %mul3A_458 : vector<16xi32>
      %get3A_460 = arith.constant 48 : i32
      %get3A_461 = arith.index_cast %get3A_460 : i32 to index
      %get3A_462 = arith.index_cast %mul3A_120 : i32 to index
      %get3A_463 = tpu.vector_load %arg6[%get3A_461, %get3A_462] {strides = array<i32>} : memref<50x256xi32, #tpu.memory_space<vmem>>, vector<16xi32>,
      %add3A_464 = arith.addi %add3A_457, %get3A_463 : vector<16xi32>
      %mul3A_465 = arith.muli %get3A_463, %get3A_463 : vector<16xi32>
      %add3A_466 = arith.addi %add3A_459, %mul3A_465 : vector<16xi32>
      %get3A_467 = arith.constant 49 : i32
      %get3A_468 = arith.index_cast %get3A_467 : i32 to index
      %get3A_469 = arith.index_cast %mul3A_120 : i32 to index
      %get3A_470 = tpu.vector_load %arg6[%get3A_468, %get3A_469] {strides = array<i32>} : memref<50x256xi32, #tpu.memory_space<vmem>>, vector<16xi32>,
      %add3A_471 = arith.addi %add3A_464, %get3A_470 : vector<16xi32>
      %mul3A_472 = arith.muli %get3A_470, %get3A_470 : vector<16xi32>
      %add3A_473 = arith.addi %add3A_466, %mul3A_472 : vector<16xi32>
      %convert_element_type3A = arith.sitofp %add3A_471 : vector<16xi32> to vector<16xf32>
      %convert_element_type3A_474 = arith.sitofp %add3A_473 : vector<16xi32> to vector<16xf32>
      %mul3A_475 = vector.broadcast %sub3A : f32 to vector<16xf32>
      %mul3A_476 = arith.mulf %mul3A_475, %convert_element_type3A : vector<16xf32>
      %sub3A_477 = arith.subf %convert_element_type3A_474, %convert_element_type3A : vector<16xf32>
      %mul3A_478 = vector.broadcast %mul3A_95 : f32 to vector<16xf32>
      %mul3A_479 = arith.mulf %mul3A_478, %sub3A_477 : vector<16xf32>
      %add3A_480 = arith.addf %mul3A_476, %mul3A_479 : vector<16xf32>
      %mul3A_481 = arith.constant 2.000000e-02 : f32
      %mul3A_482 = vector.broadcast %mul3A_481 : f32 to vector<16xf32>
      %mul3A_483 = arith.mulf %add3A_480, %mul3A_482 : vector<16xf32>
      %add3A_484 = vector.broadcast %add3A_41 : f32 to vector<16xf32>
      %add3A_485 = arith.addf %add3A_484, %mul3A_483 : vector<16xf32>
      %add3A_486 = vector.broadcast %squeeze3A_89 : f32 to vector<16xf32>
      %add3A_487 = arith.addf %add3A_485, %add3A_486 : vector<16xf32>
      %neg3A = arith.constant 0.000000e+00 : f32
      %neg3A_488 = vector.broadcast %neg3A : f32 to vector<16xf32>
      %neg3A_489 = arith.subf %neg3A_488, %add3A_487 : vector<16xf32>
      %exp3A = math.exp %neg3A_489 : vector<16xf32>
      %add3A_490 = arith.constant 1.000000e+00 : f32
      %add3A_491 = vector.broadcast %add3A_490 : f32 to vector<16xf32>
      %add3A_492 = arith.addf %add3A_491, %exp3A : vector<16xf32>
      %div3A = arith.constant 1.000000e+00 : f32
      %div3A_493 = vector.broadcast %div3A : f32 to vector<16xf32>
      %div3A_494 = arith.divf %div3A_493, %add3A_492 : vector<16xf32>
      %add3A_495 = arith.constant 256 : i32
      %add3A_496 = arith.addi %add3A_495, %mul3A_120 : i32
      %swap3A = arith.index_cast %add3A_496 : i32 to index
      %swap3A_497 = tpu.vector_load %arg7[%swap3A] {strides = array<i32>} : memref<512xf32, #tpu.memory_space<vmem>>, vector<16xf32>,
      tpu.vector_store %arg7[%swap3A], %div3A_494 {strides = array<i32>} : memref<512xf32, #tpu.memory_space<vmem>>, vector<16xf32>,
    }
    %scan3A_117 = arith.constant 16 : i32
    "tpu.region"() ({
      %run_scoped3A = tpu.sem_alloc : memref<!tpu.dma_semaphore, #tpu.memory_space<semaphore_mem>>
      %dma_start3A_118 = tpu.memref_slice %arg4[%mul3A_2] : memref<16384xf32, #tpu.memory_space<hbm>> -> memref<512xf32, #tpu.memory_space<hbm>>
      %dma_start3A_119 = tpu.memref_slice %arg4[%mul3A_2] : memref<16384xf32, #tpu.memory_space<hbm>> -> memref<512xf32, #tpu.memory_space<hbm>>
      tpu.enqueue_dma source(%arg7 : memref<512xf32, #tpu.memory_space<vmem>>) target(%dma_start3A_119 : memref<512xf32, #tpu.memory_space<hbm>>) target_semaphore(%run_scoped3A : memref<!tpu.dma_semaphore, #tpu.memory_space<semaphore_mem>>)
      %dma_wait3A_120 = tpu.memref_slice %arg4[%mul3A_2] : memref<16384xf32, #tpu.memory_space<hbm>> -> memref<512xf32, #tpu.memory_space<hbm>>
      %dma_wait3A_121 = tpu.memref_slice %arg4[%mul3A_2] : memref<16384xf32, #tpu.memory_space<hbm>> -> memref<512xf32, #tpu.memory_space<hbm>>
      tpu.wait_dma2 semaphore(%run_scoped3A : memref<!tpu.dma_semaphore, #tpu.memory_space<semaphore_mem>>) src(%arg7 : memref<512xf32, #tpu.memory_space<vmem>>) dst(%dma_wait3A_121 : memref<512xf32, #tpu.memory_space<hbm>>)
      tpu.yield
    }) : () -> ()
    return
  }
}

</mosaic_0001>

<sc_bundles>
// kernel: kernel.3.cloned.1.call-start
scs
__scs_entry_jumppad:
0x0: {  	(pc) =	sbr.rel $0x88, $3  }
0x1: {  	(tag) =	ssettag $0x0;
	lr =	simm.s32 $0x1  }
0x2: {  	[smem:$0x3F9D] =	sst lr;
	_ =	strace $0xD0000000  }
0x3: {  	_ = 	snop  }
0x4: {  	_ = 	snop  }
0x5: {  	_ = 	snop  }
0x6: {  	_ = 	snop  }
0x7: {  	_ = 	snop  }
__scs_overlays_trampoline_lowered:
0x8: {  	[smem:$0x3FAC] =	sst s0  }
0x9: {  	[smem:$0x3FAD] =	sst s1  }
0xa: {  	[smem:$0x3FAE] =	sst s2  }
0xb: {  	[smem:$0x3FAF] =	sst s3  }
0xc: {  	[smem:$0x3FB0] =	sst s4  }
0xd: {  	[smem:$0x3FB1] =	sst s5  }
0xe: {  	[smem:$0x3FB2] =	sst s6  }
0xf: {  	[smem:$0x3FB3] =	sst s7  }
0x10: {  	[smem:$0x3FB4] =	sst s8  }
0x11: {  	[smem:$0x3FB5] =	sst s9;
	s0 =	simm.s32 @!p0 $0x0  }
0x12: {  	s1 =	sld [smem:$0x3F9B];
	s0 =	simm.s32 @p0 $0x1  }
0x13: {  	[smem:$0x3FB6] =	sst s0;
	s0 =	simm.s32 @!p1 $0x0  }
0x14: {  	s2 =	sld [smem:$0x3F9A];
	s0 =	simm.s32 @p1 $0x1  }
0x15: {  	[smem:$0x3FB7] =	sst s0;
	s0 =	simm.s32 @!p2 $0x0  }
0x16: {  	s3 =	sld [smem:$0x3FDB];
	s0 =	simm.s32 @p2 $0x1  }
0x17: {  	s4 =	simm.s32 $0x1BF5;
	[smem:$0x3FB9] =	sst s0  }
0x18: {  	s0 =	sld [smem:$0x3F9C];
	_ =	swait.ge [sflag:s4], $0x0  }
0x19: {  	s7 =	sld [smem:$0x3F9D]  }
0x1a: {  	s8 =	sadd.s32 $0xFFFFE003, lr  }
0x1b: {  	s9 =	sadd.s32 $0xFFFFFEF7, lr;
	s5 =	simm.s32 $0xFFFFFFFF;
	p2 =	slt.u32 s8, $0xFFFFF086  }
0x1c: {  	p1 =	slt.u32 s9, $0xF7A;
	s5 =	simm.s32 @!p2 $0x0  }
0x1d: {  	s5 =	simm.s32 @p1 $0x1;
	p0 =	seq.s32 s7, s2  }
0x1e: {  	s7 =	smul.u32 @!p0 $0xF7A, s2;
	p2 =	seq.s32 @!p0 s5, $0x0  }
0x1f: {  	s9 =	smul.u32 $0xF7A, s1;
	s8 =	simm.s32 @!p0 $0x1BF5;
	p2 =	por !p2, p0  }
0x20: {  	[sflag:s8] =	ssyncset.s32 @!p0 $0xFFFFF086;
	s6 =	sadd.s32 @!p0 s3, s7;
	s7 =	simm.s32 @!p0 $0x108  }
0x21: {  	s3 =	sadd.s32 s3, s9;
	s6 =	sadd.s32 @!p0 $0x88, s6;
	s7 =	simm.s32 @p2 $0x1082  }
0x22: {  	[simem:s7], [sflag:s8] =	dma.local @!p0 [hbm:s6], $0xF7A  }
0x23: {  	s9 =	sor.u32 $0xD0000000, s2;
	s6 =	simm.s32 $0x108;
	_ =	swait.ge @!p0 [sflag:s8], $0x0  }
0x24: {  	s3 =	sadd.s32 $0x88, s3;
	s6 =	simm.s32 @!p1 $0x1082;
	[sflag:s4] =	ssyncset.s32 $0xFFFFF086  }
0x25: {  	[simem:s6], [sflag:s4] =	dma.local [hbm:s3], $0xF7A  }
0x26: {  	[smem:$0x3F9D] =	sst s1;
	(tag) =	ssettag s2;
	_ =	strace s9  }
0x27: {  	s1 =	sld [smem:$0x3FAD]  }
0x28: {  	s2 =	sld [smem:$0x3FAE]  }
0x29: {  	s4 =	sld [smem:$0x3FB0]  }
0x2a: {  	p0 =	seq.s32 s5, $0x0;
	s5 =	sld [smem:$0x3FB1]  }
0x2b: {  	s6 =	sld [smem:$0x3FB2]  }
0x2c: {  	s7 =	sld [smem:$0x3FB3]  }
0x2d: {  	s3 =	simm.s32 $0x108;
	s8 =	sld [smem:$0x3FB4]  }
0x2e: {  	s3 =	simm.s32 @!p0 $0x1082;
	s9 =	sld [smem:$0x3FB5]  }
0x2f: {  	lr =	sadd.s32 s0, s3;
	s0 =	sld [smem:$0x3FAC]  }
0x30: {  	s3 =	sld [smem:$0x3FAF]  }
0x31: {  	[smem:$0x3FB8] =	sst s10  }
0x32: {  	s10 =	sld [smem:$0x3FB6];
	_ =	sdelay $0x3  }
0x33: {  	p0 =	seq.s32 s10, $0x1;
	s10 =	sld [smem:$0x3FB8];
	_ =	sdelay $0x3  }
0x34: {  	[smem:$0x3FB8] =	sst s10  }
0x35: {  	s10 =	sld [smem:$0x3FB7];
	_ =	sdelay $0x3  }
0x36: {  	p1 =	seq.s32 s10, $0x1;
	s10 =	sld [smem:$0x3FB8];
	_ =	sdelay $0x3  }
0x37: {  	[smem:$0x3FB8] =	sst s10  }
0x38: {  	s10 =	sld [smem:$0x3FB9]  }
0x39: {  	_ = 	snop;
	(pc) =	sbr.ind lr, $3  }
0x3a: {  	_ = 	snop  }
0x3b: {  	_ = 	snop  }
0x3c: {  	p2 =	seq.s32 s10, $0x1;
	s10 =	sld [smem:$0x3FB8]  }
0x3d: {  	_ =	shalt  }
0x3e: {  	_ =	shalt  }
0x3f: {  	_ =	shalt  }
0x40: {  	_ =	shalt  }
0x41: {  	_ =	shalt  }
0x42: {  	_ =	shalt  }
0x43: {  	_ =	shalt  }
0x44: {  	_ =	shalt  }
0x45: {  	_ =	shalt  }
0x46: {  	_ =	shalt  }
0x47: {  	_ =	shalt  }
0x48: {  	_ =	shalt  }
0x49: {  	_ =	shalt  }
0x4a: {  	_ =	shalt  }
0x4b: {  	_ =	shalt  }
0x4c: {  	_ =	shalt  }
0x4d: {  	_ =	shalt  }
0x4e: {  	_ =	shalt  }
0x4f: {  	_ =	shalt  }
0x50: {  	_ =	shalt  }
0x51: {  	_ =	shalt  }
0x52: {  	_ =	shalt  }
0x53: {  	_ =	shalt  }
0x54: {  	_ =	shalt  }
0x55: {  	_ =	shalt  }
0x56: {  	_ =	shalt  }
0x57: {  	_ =	shalt  }
0x58: {  	_ =	shalt  }
0x59: {  	_ =	shalt  }
0x5a: {  	_ =	shalt  }
0x5b: {  	_ =	shalt  }
0x5c: {  	_ =	shalt  }
0x5d: {  	_ =	shalt  }
0x5e: {  	_ =	shalt  }
0x5f: {  	_ =	shalt  }
0x60: {  	_ =	shalt  }
0x61: {  	_ =	shalt  }
0x62: {  	_ =	shalt  }
0x63: {  	_ =	shalt  }
0x64: {  	_ =	shalt  }
0x65: {  	_ =	shalt  }
0x66: {  	_ =	shalt  }
0x67: {  	_ =	shalt  }
0x68: {  	_ =	shalt  }
0x69: {  	_ =	shalt  }
0x6a: {  	_ =	shalt  }
0x6b: {  	_ =	shalt  }
0x6c: {  	_ =	shalt  }
0x6d: {  	_ =	shalt  }
0x6e: {  	_ =	shalt  }
0x6f: {  	_ =	shalt  }
0x70: {  	_ =	shalt  }
0x71: {  	_ =	shalt  }
0x72: {  	_ =	shalt  }
0x73: {  	_ =	shalt  }
0x74: {  	_ =	shalt  }
0x75: {  	_ =	shalt  }
0x76: {  	_ =	shalt  }
0x77: {  	_ =	shalt  }
0x78: {  	_ =	shalt  }
0x79: {  	_ =	shalt  }
0x7a: {  	_ =	shalt  }
0x7b: {  	_ =	shalt  }
0x7c: {  	_ =	shalt  }
0x7d: {  	_ =	shalt  }
0x7e: {  	_ =	shalt  }
0x7f: {  	_ =	shalt  }
0x80: {  	_ =	shalt  }
0x81: {  	_ =	shalt  }
0x82: {  	_ =	shalt  }
0x83: {  	_ =	shalt  }
0x84: {  	_ =	shalt  }
0x85: {  	_ =	shalt  }
0x86: {  	_ =	shalt  }
0x87: {  	_ =	shalt  }
.Lfunc_end0:
.L_simem_size_0:
called_computation_lowered:
.L_overlay_start_0:
0x88: {  	s2 =	sld [smem:$0x3FD9]  }
0x89: {  	s3 =	sld [smem:$0x3FFE];
	_ =	sdelay $0x1  }
0x8a: {  	s1 =	srdreg.scid  }
0x8b: {  	s0 =	sand.u32 $0x1, s1  }
0x8c: {  	s17 =	sshll.u32 s0, $0xA;
	s2 =	sadd.s32 s3, s2  }
0x8d: {  	s2 =	sadd.s32 s2, s17  }
0x8e: {  	[smem:$0x3FC4] =	sst s2  }
0x8f: {  	_ = 	snop  }
0x90: {  	s2 =	sld [smem:$0x3FC9]  }
0x91: {  	s18 =	sld [smem:$0x3FD0];
	(tm) =	ssettm $0x1  }
0x92: {  	s4 =	sld [smem:$0x3FFB];
	_ =	sdelay $0x3  }
0x93: {  	_ =	strace s4  }
0x94: {  	s4 =	sld [smem:$0x3FFC];
	_ =	sdelay $0x3  }
0x95: {  	_ =	strace s4  }
0x96: {  	s4 =	sld [smem:$0x3FFD];
	_ =	sdelay $0x3  }
0x97: {  	_ =	strace s4  }
0x98: {  	_ =	strace $0x8FFFFFFF  }
0x99: {  	s19 =	sld [smem:$0x3FDB];
	_ =	sdelay $0x1  }
0x9a: {  	s5 =	simm.s32 $_scs_section_size  }
0x9b: {  	s6 =	simm.s32 $_size__tile_overlayer_lowered;
	s7 =	simm.s32 $_tile_overlayer_lowered  }
0x9c: {  	s22 =	simm.s32 $0x1BFF;
	s21 =	sshll.u32 s7, $0x1;
	s4 =	sadd.s32 s5, s19  }
0x9d: {  	s8 =	simm.s32 $0x0;
	s20 =	sshll.u32 s6, $0x1;
	s6 =	sadd.s32 s21, s4  }
0x9e: {  	[timem:s8], [sflag:s22] =	dma.local [hbm:s6], s20  }
0x9f: {  	_ =	swait.ge [sflag:s22], s20  }
0xa0: {  	s5 =	ssub.s32 $0x0, s20;
	[sflag:s22] =	ssyncset.done $0x0  }
0xa1: {  	[sflag:s22] =	ssyncadd.s32 s5;
	_ =	sdelay $0x1  }
0xa2: {  	s23 =	simm.s32 $0x1B8B  }
0xa3: {  	_ =	swait.ge [sflag:s23], $0x1  }
0xa4: {  	[sflag:s23] =	ssyncset.done $0x0  }
0xa5: {  	s25 =	simm.s32 $0x1B8E;
	s24 =	sld [smem:$0x3FFE];
	[sflag:s23] =	ssyncadd.s32 $0xFFFFFFFF  }
0xa6: {  	s26 =	simm.s32 $execute0_lowered;
	[smem:$0x3FD2] =	sst s25  }
0xa7: {  	s6 =	sshll.u32 s26, $0x1;
	_ =	strace $0x80000046;
	[dreg:$0x1] =	wrdreg $0xFFFFFFFF  }
0xa8: {  	s28 =	simm.s32 $_size_execute0_lowered;
	s4 =	sadd.s32 s4, s6;
	[dreg:$0x0] =	wrdreg $0x0  }
0xa9: {  	s6 =	sshll.u32 s28, $0x1;
	[dreg:$0x2] =	wrdreg s4  }
0xaa: {  	[dreg:$0x3] =	wrdreg s6  }
0xab: {  	[dreg:$0x4] =	wrdreg $0xC0  }
0xac: {  	_ =	task [dreg:s8], $0x5FFFF  }
0xad: {  	[dreg:$0x1] =	wrdreg $0xFFFFFFFF  }
0xae: {  	[dreg:$0x0] =	wrdreg $0x60  }
0xaf: {  	[dreg:$0x2] =	wrdreg s2  }
0xb0: {  	[dreg:$0x3] =	wrdreg s24  }
0xb1: {  	[dreg:$0x4] =	wrdreg s18  }
0xb2: {  	[dreg:$0x5] =	wrdreg $0x9  }
0xb3: {  	_ =	task.clear_ibuf [dreg:s8], $0x6FFFF;
	_ =	strace $0x90000046  }
0xb4: {  	s29 =	simm.s32 $0x9;
	_ =	strace $0x80000048  }
0xb5: {  	_ =	swait.ge [sflag:s29], $0x1  }
0xb6: {  	[sflag:s29] =	ssyncadd.s32 $0xFFFFFFFF  }
0xb7: {  	_ =	strace $0x90000048  }
0xb8: {  	_ =	sfence  }
0xb9: {  	s30 =	sld [smem:$0x0];
	_ =	sdelay $0x2  }
0xba: {  	s31 =	sshll.u32 s1, $0xD;
	s1 =	sshrl.u32 s1, $0x2  }
0xbb: {  	s3 =	sand.u32 $0x4000, s31;
	s1 =	sadd.s32 s1, s30  }
0xbc: {  	s0 =	sor.u32 s3, s0;
	s1 =	sshll.u32 s1, $0x11  }
0xbd: {  	s0 =	sor.u32 s1, s0  }
0xbe: {  	s0 =	sadd.s32 $0x8F2B, s0  }
0xbf: {  	[sflag:s0] =	ssyncadd.remote.s32 $0x1  }
0xc0: {  	_ =	sfence.sel $0xFFFF  }
0xc1: {  	[dreg:$0x0] =	wrdreg $0xFFFFFFFF;
	(pc) =	sbr.abs _section_cstart, $3  }
0xc2: {  	[dreg:$0x1] =	wrdreg $0xFFFFFFFF  }
0xc3: {  	_ =	task.clear_ibuf [dreg:s8], $0x2FFFF;
	_ =	strace $0x9FFFFFFF  }
0xc4: {  	(tm) =	ssettm $0x7FFFFFFF  }
0xc5: {  	_ =	shalt  }
tec
execute0_lowered:
.L_overlay_start_1:
0x0: {  	(tag) =	ssettag $0x1  }
0x1: {  	s0 =	rddreg [dreg:$0x0]  }
0x2: {  	s1 =	rddreg [dreg:$0x1]  }
0x3: {  	s6 =	rddreg [dreg:$0x2];
	s2 =	simm.s32 $0x0  }
0x4: {  	s3 =	srdreg.scid;
	s5 =	stileid.u32;
	s8 =	simm.s32 $0x800  }
0x5: {  	s9 =	simm.s32 $0x20000;
	s12 =	simm.s32 $0x3;
	s13 =	simm.s32 $0x1  }
0x6: {  	s14 =	simm.s32 $0x2;
	s15 =	simm.s32 $0x7000;
	s16 =	simm.s32 $0x0  }
0x7: {  	[smem:$0x7FF] =	sst s2;
	s3 =	sand.u32 $0x1, s3;
	s5 =	sshll.u32 s5, $0xA  }
0x8: {  	_ =	strace $0x80000047;
	s4 =	ssub.s32 $0x2, s3;
	s7 =	sshll.u32 s3, $0x9  }
0x9: {  	s3 =	sadd.s32 $0x400, s1;
	s30 =	sshrl.u32 s4, $0x1;
	s5 =	sor.u32 s7, s5  }
0xa: {  	s1 =	ssub.s32 s4, s30;
	s4 =	sadd.s32 s0, s5;
	s31 =	sshrl.u32 s5, $0x3  }
0xb: {  	s5 =	sadd.s32 $0x100, s4;
	s6 =	sadd.s32 s6, s31;
	s7 =	smax.u32 s1, $0x1  }
.LBB2_1:
0xc: {  	[tilespmem:s2], [sflag:$0x1] =	stream.strided.gather [hbm4b:s4+s8], $0x3800, s9, s8, $0x38;
	[tilespmem:$0x7280] =	vst v63  }
0xd: {  	s0 =	simm.s32 $0x3800  }
0xe: {  	[tilespmem:s0], [sflag:$0x2] =	stream.strided.gather [hbm4b:s5+s8], $0x3800, s9, s8, $0x38;
	[tilespmem:$0x7280] =	vst v63  }
0xf: {  	s30 =	simm.s32 $0x7200  }
0x10: {  	[tilespmem:s30], [sflag:$0x3] =	stream.linear.gather [hbm4b:s3+s2], $0x80, $0x38;
	[tilespmem:$0x7280] =	vst v63  }
0x11: {  	_ =	swait.ge [sflag:s12], $0x80  }
0x12: {  	[sflag:s12] =	ssyncset.done $0x0  }
0x13: {  	[sflag:s12] =	ssyncadd.s32 $0xFFFFFF80  }
0x14: {  	v0 =	vld [tilespmem:$0x7200];
	_ =	sdelay $0x4  }
0x15: {  	(v2sf) =	vpush v0, $0x0  }
0x16: {  	(v2sf) =	vpush v0, $0xC  }
0x17: {  	(v2sf) =	vpush v0, $0x1  }
0x18: {  	(v2sf) =	vpush v0, $0xD  }
0x19: {  	(v2sf) =	vpush v0, $0x2  }
0x1a: {  	(v2sf) =	vpush v0, $0xE  }
0x1b: {  	(v2sf) =	vpush v0, $0x3  }
0x1c: {  	(v2sf) =	vpush v0, $0xF  }
0x1d: {  	(v2sf) =	vpush v0, $0x4  }
0x1e: {  	(v2sf) =	vpush v0, $0x5  }
0x1f: {  	(v2sf) =	vpush v0, $0x6  }
0x20: {  	(v2sf) =	vpush v0, $0x7  }
0x21: {  	(v2sf) =	vpush v0, $0x8  }
0x22: {  	(v2sf) =	vpush v0, $0x9  }
0x23: {  	(v2sf) =	vpush v0, $0xA  }
0x24: {  	s10 =	spop (v2sf);
	(v2sf) =	vpush v0, $0xB  }
0x25: {  	s30 =	spop (v2sf)  }
0x26: {  	s31 =	spop (v2sf)  }
0x27: {  	s24 =	spop (v2sf)  }
0x28: {  	s28 =	spop (v2sf)  }
0x29: {  	s20 =	spop (v2sf)  }
0x2a: {  	s17 =	spop (v2sf)  }
0x2b: {  	s18 =	spop (v2sf)  }
0x2c: {  	s1 =	spop (v2sf)  }
0x2d: {  	s29 =	spop (v2sf)  }
0x2e: {  	s25 =	spop (v2sf)  }
0x2f: {  	s21 =	spop (v2sf)  }
0x30: {  	s0 =	spop (v2sf)  }
0x31: {  	s26 =	spop (v2sf)  }
0x32: {  	s23 =	spop (v2sf)  }
0x33: {  	s19 =	spop (v2sf)  }
0x34: {  	v0 =	vld.msk [tilespmem:$0x7210 ss:$0x0], $0xffff;
	_ =	swait.ge [sflag:s13], $0x3800  }
0x35: {  	s22 =	sand.u32 $0x70, s2;
	s11 =	sand.u32 $0x400, s2;
	[sflag:s13] =	ssyncset.done $0x0  }
0x36: {  	s22 =	sor.u32 s22, s11;
	[sflag:s13] =	ssyncadd.s32 $0xFFFFC800  }
0x37: {  	v1 =	vld [tilespmem:s22+$0x80]  }
0x38: {  	v2 =	vld [tilespmem:s22+$0x0]  }
0x39: {  	v3 =	vld [tilespmem:s22+$0x100]  }
0x3a: {  	v4 =	vld [tilespmem:s22+$0x180]  }
0x3b: {  	v5 =	vld [tilespmem:s22+$0x200]  }
0x3c: {  	v6 =	vld [tilespmem:s22+$0x280]  }
0x3d: {  	v9 =	vld [tilespmem:s22+$0x300];
	v7 =	vmul.u32 v2, v2;
	v8 =	vmul.u32 v1, v1  }
0x3e: {  	v11 =	vld [tilespmem:s22+$0x380];
	v10 =	vmul.u32 v3, v3  }
0x3f: {  	v29 =	vld [tilespmem:s22+$0x800];
	v1 =	vadd.s32 v2, v1;
	v28 =	vmul.u32 v4, v4;
	v2 =	vadd.s32 v7, v8  }
0x40: {  	v30 =	vld [tilespmem:s22+$0x880];
	v1 =	vadd.s32 v3, v1;
	v3 =	vmul.u32 v5, v5;
	v2 =	vadd.s32 v10, v2  }
0x41: {  	v31 =	vld [tilespmem:s22+$0x900];
	v1 =	vadd.s32 v4, v1;
	v4 =	vmul.u32 v6, v6;
	v2 =	vadd.s32 v28, v2  }
0x42: {  	v1 =	vadd.s32 v5, v1;
	v5 =	vld [tilespmem:s22+$0x980];
	v2 =	vadd.s32 v3, v2;
	v3 =	vmul.u32 v9, v9  }
0x43: {  	v32 =	vld [tilespmem:s22+$0xA00];
	v1 =	vadd.s32 v6, v1;
	v2 =	vadd.s32 v4, v2;
	v4 =	vmul.u32 v11, v11  }
0x44: {  	v33 =	vld [tilespmem:s22+$0xA80];
	v1 =	vadd.s32 v9, v1;
	v2 =	vadd.s32 v3, v2;
	v3 =	vmul.u32 v29, v29  }
0x45: {  	v34 =	vld [tilespmem:s22+$0xB00];
	v1 =	vadd.s32 v11, v1;
	v2 =	vadd.s32 v4, v2;
	v4 =	vmul.u32 v30, v30  }
0x46: {  	v35 =	vld [tilespmem:s22+$0xB80];
	v1 =	vadd.s32 v29, v1;
	v2 =	vadd.s32 v3, v2;
	v3 =	vmul.u32 v31, v31  }
0x47: {  	v36 =	vld [tilespmem:s22+$0x1000];
	v1 =	vadd.s32 v30, v1;
	v2 =	vadd.s32 v4, v2;
	v4 =	vmul.u32 v5, v5  }
0x48: {  	v37 =	vld [tilespmem:s22+$0x1080];
	v1 =	vadd.s32 v31, v1;
	v2 =	vadd.s32 v3, v2;
	v3 =	vmul.u32 v32, v32  }
0x49: {  	v1 =	vadd.s32 v5, v1;
	v5 =	vld [tilespmem:s22+$0x1100];
	v2 =	vadd.s32 v4, v2;
	v4 =	vmul.u32 v33, v33  }
0x4a: {  	v38 =	vld [tilespmem:s22+$0x1180];
	v1 =	vadd.s32 v32, v1;
	v2 =	vadd.s32 v3, v2;
	v3 =	vmul.u32 v34, v34  }
0x4b: {  	v39 =	vld [tilespmem:s22+$0x1200];
	v1 =	vadd.s32 v33, v1;
	v2 =	vadd.s32 v4, v2;
	v4 =	vmul.u32 v35, v35  }
0x4c: {  	v40 =	vld [tilespmem:s22+$0x1280];
	v1 =	vadd.s32 v34, v1;
	v2 =	vadd.s32 v3, v2;
	v3 =	vmul.u32 v36, v36  }
0x4d: {  	v41 =	vld [tilespmem:s22+$0x1300];
	v1 =	vadd.s32 v35, v1;
	v2 =	vadd.s32 v4, v2;
	v4 =	vmul.u32 v37, v37  }
0x4e: {  	v42 =	vld [tilespmem:s22+$0x1380];
	v1 =	vadd.s32 v36, v1;
	v2 =	vadd.s32 v3, v2;
	v3 =	vmul.u32 v5, v5  }
0x4f: {  	v43 =	vld [tilespmem:s22+$0x1800];
	v1 =	vadd.s32 v37, v1;
	v2 =	vadd.s32 v4, v2;
	v4 =	vmul.u32 v38, v38  }
0x50: {  	v1 =	vadd.s32 v5, v1;
	v5 =	vld [tilespmem:s22+$0x1880];
	v2 =	vadd.s32 v3, v2;
	v3 =	vmul.u32 v39, v39  }
0x51: {  	v44 =	vld [tilespmem:s22+$0x1900];
	v1 =	vadd.s32 v38, v1;
	v2 =	vadd.s32 v4, v2;
	v4 =	vmul.u32 v40, v40  }
0x52: {  	v45 =	vld [tilespmem:s22+$0x1980];
	v1 =	vadd.s32 v39, v1;
	v2 =	vadd.s32 v3, v2;
	v3 =	vmul.u32 v41, v41  }
0x53: {  	v46 =	vld [tilespmem:s22+$0x1A00];
	v1 =	vadd.s32 v40, v1;
	v2 =	vadd.s32 v4, v2;
	v4 =	vmul.u32 v42, v42  }
0x54: {  	v47 =	vld [tilespmem:s22+$0x1A80];
	v1 =	vadd.s32 v41, v1;
	v2 =	vadd.s32 v3, v2;
	v3 =	vmul.u32 v43, v43  }
0x55: {  	v48 =	vld [tilespmem:s22+$0x1B00];
	v1 =	vadd.s32 v42, v1;
	v2 =	vadd.s32 v4, v2;
	v4 =	vmul.u32 v5, v5  }
0x56: {  	v49 =	vld [tilespmem:s22+$0x1B80];
	v1 =	vadd.s32 v43, v1;
	v2 =	vadd.s32 v3, v2;
	v3 =	vmul.u32 v44, v44  }
0x57: {  	v1 =	vadd.s32 v5, v1;
	v5 =	vld [tilespmem:s22+$0x2000];
	v2 =	vadd.s32 v4, v2;
	v4 =	vmul.u32 v45, v45  }
0x58: {  	v50 =	vld [tilespmem:s22+$0x2080];
	v1 =	vadd.s32 v44, v1;
	v2 =	vadd.s32 v3, v2;
	v3 =	vmul.u32 v46, v46  }
0x59: {  	v51 =	vld [tilespmem:s22+$0x2100];
	v1 =	vadd.s32 v45, v1;
	v2 =	vadd.s32 v4, v2;
	v4 =	vmul.u32 v47, v47  }
0x5a: {  	v52 =	vld [tilespmem:s22+$0x2180];
	v1 =	vadd.s32 v46, v1;
	v2 =	vadd.s32 v3, v2;
	v3 =	vmul.u32 v48, v48  }
0x5b: {  	v53 =	vld [tilespmem:s22+$0x2200];
	v1 =	vadd.s32 v47, v1;
	v2 =	vadd.s32 v4, v2;
	v4 =	vmul.u32 v49, v49  }
0x5c: {  	v54 =	vld [tilespmem:s22+$0x2280];
	v1 =	vadd.s32 v48, v1;
	v2 =	vadd.s32 v3, v2;
	v3 =	vmul.u32 v5, v5  }
0x5d: {  	s10 =	smul.f32 s30, s10;
	v55 =	vld [tilespmem:s22+$0x2300];
	v1 =	vadd.s32 v49, v1;
	v2 =	vadd.s32 v4, v2;
	v4 =	vmul.u32 v50, v50  }
0x5e: {  	s31 =	smul.f32 s24, s31;
	v1 =	vadd.s32 v5, v1;
	v5 =	vld [tilespmem:s22+$0x2380];
	v2 =	vadd.s32 v3, v2;
	v3 =	vmul.u32 v51, v51  }
0x5f: {  	v56 =	vld [tilespmem:s22+$0x2800];
	v1 =	vadd.s32 v50, v1;
	v2 =	vadd.s32 v4, v2;
	v4 =	vmul.u32 v52, v52  }
0x60: {  	s10 =	sadd.f32 s31, s10;
	s31 =	smul.f32 s20, s28;
	v57 =	vld [tilespmem:s22+$0x2880];
	v1 =	vadd.s32 v51, v1;
	v2 =	vadd.s32 v3, v2;
	v3 =	vmul.u32 v53, v53  }
0x61: {  	s1 =	smul.f32 s30, s1;
	v58 =	vld [tilespmem:s22+$0x2900];
	v1 =	vadd.s32 v52, v1;
	v2 =	vadd.s32 v4, v2;
	v4 =	vmul.u32 v54, v54  }
0x62: {  	s29 =	smul.f32 s24, s29;
	v59 =	vld [tilespmem:s22+$0x2980];
	v1 =	vadd.s32 v53, v1;
	v2 =	vadd.s32 v3, v2;
	v3 =	vmul.u32 v55, v55  }
0x63: {  	s10 =	sadd.f32 s10, s31;
	s31 =	smul.f32 s20, s25;
	v60 =	vld [tilespmem:s22+$0x2A00];
	v1 =	vadd.s32 v54, v1;
	v2 =	vadd.s32 v4, v2;
	v4 =	vmul.u32 v5, v5  }
0x64: {  	s1 =	sadd.f32 s29, s1;
	s0 =	smul.f32 s30, s0;
	v61 =	vld [tilespmem:s22+$0x2A80];
	v1 =	vadd.s32 v55, v1;
	v2 =	vadd.s32 v3, v2;
	v3 =	vmul.u32 v56, v56  }
0x65: {  	s30 =	smul.f32 s24, s26;
	v1 =	vadd.s32 v5, v1;
	v5 =	vld [tilespmem:s22+$0x2B00];
	v2 =	vadd.s32 v4, v2;
	v4 =	vmul.u32 v57, v57  }
0x66: {  	s1 =	sadd.f32 s1, s31;
	s26 =	smul.f32 s18, s21;
	v62 =	vld [tilespmem:s22+$0x2B80];
	v1 =	vadd.s32 v56, v1;
	v2 =	vadd.s32 v3, v2;
	v3 =	vmul.u32 v58, v58  }
0x67: {  	s25 =	smul.f32 s20, s23;
	s0 =	sadd.f32 s30, s0;
	v63 =	vld [tilespmem:s22+$0x3000];
	v1 =	vadd.s32 v57, v1;
	v2 =	vadd.s32 v4, v2;
	v4 =	vmul.u32 v59, v59  }
0x68: {  	s1 =	sadd.f32 s1, s26;
	v12 =	vld [tilespmem:s22+$0x3080];
	v1 =	vadd.s32 v58, v1;
	v2 =	vadd.s32 v3, v2;
	v3 =	vmul.u32 v60, v60  }
0x69: {  	s28 =	smul.f32 s18, s19;
	s0 =	sadd.f32 s0, s25;
	v1 =	vadd.s32 v59, v1;
	v2 =	vadd.s32 v4, v2;
	v4 =	vmul.u32 v61, v61  }
0x6a: {  	s17 =	smul.f32 s18, s17;
	s29 =	sadd.f32 s1, s1;
	v1 =	vadd.s32 v60, v1;
	v2 =	vadd.s32 v3, v2;
	v3 =	vmul.u32 v5, v5  }
0x6b: {  	s0 =	sadd.f32 s0, s28;
	v1 =	vadd.s32 v61, v1;
	v2 =	vadd.s32 v4, v2;
	v4 =	vmul.u32 v62, v62  }
0x6c: {  	s10 =	sadd.f32 s10, s17;
	v1 =	vadd.s32 v5, v1;
	v2 =	vadd.s32 v3, v2;
	v3 =	vmul.u32 v63, v63  }
0x6d: {  	s0 =	ssub.f32 s0, s29;
	v1 =	vadd.s32 v62, v1;
	v2 =	vadd.s32 v4, v2;
	v4 =	vmul.u32 v12, v12  }
0x6e: {  	v1 =	vadd.s32 v63, v1;
	v2 =	vadd.s32 v3, v2  }
0x6f: {  	s0 =	sadd.f32 s0, s10;
	v1 =	vadd.s32 v12, v1;
	v2 =	vadd.s32 v4, v2  }
0x70: {  	v3 =	vcvt.s32.f32 v1;
	v1 =	vcvt.s32.f32 v2  }
0x71: {  	s1 =	ssub.f32 s1, s10;
	s0 =	smul.f32 $5.000000000e-01, s0  }
0x72: {  	v4 =	vsub.f32 v1, v3  }
0x73: {  	v2 =	vmov s0;
	v1 =	vmov s1  }
0x74: {  	v3 =	vmul.f32 v3, v1;
	v4 =	vmul.f32 v4, v2;
	_ =	sdelay $0x1  }
0x75: {  	v3 =	vadd.f32 v4, v3;
	_ =	sdelay $0x1  }
0x76: {  	v4 =	vmul.f32 $1.999999960e-02, v3  }
0x77: {  	v3 =	vmov s10  }
0x78: {  	v4 =	vadd.f32 v4, v3;
	_ =	sdelay $0x1  }
0x79: {  	v4 =	vadd.f32 v4, v0;
	_ =	sdelay $0x1  }
0x7a: {  	v4 =	vsub.f32 $0.0e+00, v4;
	_ =	sdelay $0x1  }
0x7b: {  	v4 =	vmul.f32 $1.442695020e+00, v4;
	_ =	sdelay $0x1  }
0x7c: {  	(erf) = vpow2.f32 v4;
	_ =	sdelay $0x8  }
0x7d: {  	v4 =	vpop (erf)  }
0x7e: {  	v4 =	vadd.f32 $1.000000000e+00, v4;
	_ =	sdelay $0x1  }
0x7f: {  	(erf) = vrcp.f32 v4;
	_ =	sdelay $0x7  }
0x80: {  	s30 =	simm.s32 $0x10;
	s19 =	simm.s32 $0x80  }
0x81: {  	s31 =	sand.u32 $0x400, s19;
	s0 =	sand.u32 $0x70, s30;
	v4 =	vpop (erf)  }
0x82: {  	s17 =	simm.s32 $0x7000;
	s20 =	simm.s32 $0x20;
	s18 =	sor.u32 s0, s31;
	[tilespmem:s15+$0x0] =	vst v4  }
.LBB2_2:
0x83: {  	p0 =	sne.s32 s20, $0xF0;
	v4 =	vld [tilespmem:s18+$0x80]  }
0x84: {  	v5 =	vld [tilespmem:s18+$0x0]  }
0x85: {  	v6 =	vld [tilespmem:s18+$0x100]  }
0x86: {  	v7 =	vld [tilespmem:s18+$0x180]  }
0x87: {  	v8 =	vld [tilespmem:s18+$0x200]  }
0x88: {  	v9 =	vld [tilespmem:s18+$0x280]  }
0x89: {  	v11 =	vmul.u32 v4, v4;
	v10 =	vmul.u32 v5, v5;
	v12 =	vld [tilespmem:s18+$0x300]  }
0x8a: {  	v13 =	vmul.u32 v6, v6;
	v14 =	vld [tilespmem:s18+$0x380]  }
0x8b: {  	v4 =	vadd.s32 v5, v4;
	v5 =	vadd.s32 v10, v11;
	v10 =	vmul.u32 v7, v7;
	v11 =	vld [tilespmem:s18+$0x800]  }
0x8c: {  	v4 =	vadd.s32 v6, v4;
	v5 =	vadd.s32 v13, v5;
	v6 =	vmul.u32 v8, v8;
	v13 =	vld [tilespmem:s18+$0x880]  }
0x8d: {  	v4 =	vadd.s32 v7, v4;
	v5 =	vadd.s32 v10, v5;
	v7 =	vmul.u32 v9, v9;
	v10 =	vld [tilespmem:s18+$0x900]  }
0x8e: {  	v4 =	vadd.s32 v8, v4;
	v5 =	vadd.s32 v6, v5;
	v6 =	vmul.u32 v12, v12;
	v8 =	vld [tilespmem:s18+$0x980]  }
0x8f: {  	v4 =	vadd.s32 v9, v4;
	v5 =	vadd.s32 v7, v5;
	v7 =	vmul.u32 v14, v14;
	v9 =	vld [tilespmem:s18+$0xA00]  }
0x90: {  	v4 =	vadd.s32 v12, v4;
	v5 =	vadd.s32 v6, v5;
	v6 =	vmul.u32 v11, v11;
	v12 =	vld [tilespmem:s18+$0xA80]  }
0x91: {  	v4 =	vadd.s32 v14, v4;
	v5 =	vadd.s32 v7, v5;
	v7 =	vmul.u32 v13, v13;
	v14 =	vld [tilespmem:s18+$0xB00]  }
0x92: {  	v4 =	vadd.s32 v11, v4;
	v5 =	vadd.s32 v6, v5;
	v6 =	vmul.u32 v10, v10;
	v11 =	vld [tilespmem:s18+$0xB80]  }
0x93: {  	v4 =	vadd.s32 v13, v4;
	v5 =	vadd.s32 v7, v5;
	v7 =	vmul.u32 v8, v8;
	v13 =	vld [tilespmem:s18+$0x1000]  }
0x94: {  	v4 =	vadd.s32 v10, v4;
	v5 =	vadd.s32 v6, v5;
	v6 =	vmul.u32 v9, v9;
	v10 =	vld [tilespmem:s18+$0x1080]  }
0x95: {  	v4 =	vadd.s32 v8, v4;
	v5 =	vadd.s32 v7, v5;
	v7 =	vmul.u32 v12, v12;
	v8 =	vld [tilespmem:s18+$0x1100]  }
0x96: {  	v4 =	vadd.s32 v9, v4;
	v5 =	vadd.s32 v6, v5;
	v6 =	vmul.u32 v14, v14;
	v9 =	vld [tilespmem:s18+$0x1180]  }
0x97: {  	v4 =	vadd.s32 v12, v4;
	v5 =	vadd.s32 v7, v5;
	v7 =	vmul.u32 v11, v11;
	v12 =	vld [tilespmem:s18+$0x1200]  }
0x98: {  	v4 =	vadd.s32 v14, v4;
	v5 =	vadd.s32 v6, v5;
	v6 =	vmul.u32 v13, v13;
	v14 =	vld [tilespmem:s18+$0x1280]  }
0x99: {  	v4 =	vadd.s32 v11, v4;
	v5 =	vadd.s32 v7, v5;
	v7 =	vmul.u32 v10, v10;
	v11 =	vld [tilespmem:s18+$0x1300]  }
0x9a: {  	v4 =	vadd.s32 v13, v4;
	v5 =	vadd.s32 v6, v5;
	v6 =	vmul.u32 v8, v8;
	v13 =	vld [tilespmem:s18+$0x1380]  }
0x9b: {  	v4 =	vadd.s32 v10, v4;
	v5 =	vadd.s32 v7, v5;
	v7 =	vmul.u32 v9, v9;
	v10 =	vld [tilespmem:s18+$0x1800]  }
0x9c: {  	v4 =	vadd.s32 v8, v4;
	v5 =	vadd.s32 v6, v5;
	v6 =	vmul.u32 v12, v12;
	v8 =	vld [tilespmem:s18+$0x1880]  }
0x9d: {  	v4 =	vadd.s32 v9, v4;
	v5 =	vadd.s32 v7, v5;
	v7 =	vmul.u32 v14, v14;
	v9 =	vld [tilespmem:s18+$0x1900]  }
0x9e: {  	v4 =	vadd.s32 v12, v4;
	v5 =	vadd.s32 v6, v5;
	v6 =	vmul.u32 v11, v11;
	v12 =	vld [tilespmem:s18+$0x1980]  }
0x9f: {  	v4 =	vadd.s32 v14, v4;
	v5 =	vadd.s32 v7, v5;
	v7 =	vmul.u32 v13, v13;
	v14 =	vld [tilespmem:s18+$0x1A00]  }
0xa0: {  	v4 =	vadd.s32 v11, v4;
	v5 =	vadd.s32 v6, v5;
	v6 =	vmul.u32 v10, v10;
	v11 =	vld [tilespmem:s18+$0x1A80]  }
0xa1: {  	v4 =	vadd.s32 v13, v4;
	v5 =	vadd.s32 v7, v5;
	v7 =	vmul.u32 v8, v8;
	v13 =	vld [tilespmem:s18+$0x1B00]  }
0xa2: {  	v4 =	vadd.s32 v10, v4;
	v5 =	vadd.s32 v6, v5;
	v6 =	vmul.u32 v9, v9;
	v10 =	vld [tilespmem:s18+$0x1B80]  }
0xa3: {  	v4 =	vadd.s32 v8, v4;
	v5 =	vadd.s32 v7, v5;
	v7 =	vmul.u32 v12, v12;
	v8 =	vld [tilespmem:s18+$0x2000]  }
0xa4: {  	v4 =	vadd.s32 v9, v4;
	v5 =	vadd.s32 v6, v5;
	v6 =	vmul.u32 v14, v14;
	v9 =	vld [tilespmem:s18+$0x2080]  }
0xa5: {  	v4 =	vadd.s32 v12, v4;
	v5 =	vadd.s32 v7, v5;
	v7 =	vmul.u32 v11, v11;
	v12 =	vld [tilespmem:s18+$0x2100]  }
0xa6: {  	v4 =	vadd.s32 v14, v4;
	v5 =	vadd.s32 v6, v5;
	v6 =	vmul.u32 v13, v13;
	v14 =	vld [tilespmem:s18+$0x2180]  }
0xa7: {  	v4 =	vadd.s32 v11, v4;
	v5 =	vadd.s32 v7, v5;
	v7 =	vmul.u32 v10, v10;
	v11 =	vld [tilespmem:s18+$0x2200]  }
0xa8: {  	v4 =	vadd.s32 v13, v4;
	v5 =	vadd.s32 v6, v5;
	v6 =	vmul.u32 v8, v8;
	v13 =	vld [tilespmem:s18+$0x2280]  }
0xa9: {  	v4 =	vadd.s32 v10, v4;
	v5 =	vadd.s32 v7, v5;
	v7 =	vmul.u32 v9, v9;
	v10 =	vld [tilespmem:s18+$0x2300]  }
0xaa: {  	v4 =	vadd.s32 v8, v4;
	v5 =	vadd.s32 v6, v5;
	v6 =	vmul.u32 v12, v12;
	v8 =	vld [tilespmem:s18+$0x2380]  }
0xab: {  	v4 =	vadd.s32 v9, v4;
	v5 =	vadd.s32 v7, v5;
	v7 =	vmul.u32 v14, v14;
	v9 =	vld [tilespmem:s18+$0x2800]  }
0xac: {  	v4 =	vadd.s32 v12, v4;
	v5 =	vadd.s32 v6, v5;
	v6 =	vmul.u32 v11, v11;
	v12 =	vld [tilespmem:s18+$0x2880]  }
0xad: {  	v4 =	vadd.s32 v14, v4;
	v5 =	vadd.s32 v7, v5;
	v7 =	vmul.u32 v13, v13;
	v14 =	vld [tilespmem:s18+$0x2900]  }
0xae: {  	v4 =	vadd.s32 v11, v4;
	v5 =	vadd.s32 v6, v5;
	v6 =	vmul.u32 v10, v10;
	v11 =	vld [tilespmem:s18+$0x2980]  }
0xaf: {  	v4 =	vadd.s32 v13, v4;
	v5 =	vadd.s32 v7, v5;
	v7 =	vmul.u32 v8, v8;
	v13 =	vld [tilespmem:s18+$0x2A00]  }
0xb0: {  	v4 =	vadd.s32 v10, v4;
	v5 =	vadd.s32 v6, v5;
	v6 =	vmul.u32 v9, v9;
	v10 =	vld [tilespmem:s18+$0x2A80]  }
0xb1: {  	v4 =	vadd.s32 v8, v4;
	v5 =	vadd.s32 v7, v5;
	v7 =	vmul.u32 v12, v12;
	v8 =	vld [tilespmem:s18+$0x2B00]  }
0xb2: {  	v4 =	vadd.s32 v9, v4;
	v5 =	vadd.s32 v6, v5;
	v6 =	vmul.u32 v14, v14;
	v9 =	vld [tilespmem:s18+$0x2B80]  }
0xb3: {  	v4 =	vadd.s32 v12, v4;
	v5 =	vadd.s32 v7, v5;
	v7 =	vmul.u32 v11, v11;
	v12 =	vld [tilespmem:s18+$0x3000]  }
0xb4: {  	v4 =	vadd.s32 v14, v4;
	v5 =	vadd.s32 v6, v5;
	v6 =	vmul.u32 v13, v13;
	v14 =	vld [tilespmem:s18+$0x3080]  }
0xb5: {  	v4 =	vadd.s32 v11, v4;
	v5 =	vadd.s32 v7, v5;
	v7 =	vmul.u32 v10, v10  }
0xb6: {  	v4 =	vadd.s32 v13, v4;
	v5 =	vadd.s32 v6, v5;
	v6 =	vmul.u32 v8, v8  }
0xb7: {  	v4 =	vadd.s32 v10, v4;
	v5 =	vadd.s32 v7, v5;
	v7 =	vmul.u32 v9, v9  }
0xb8: {  	v4 =	vadd.s32 v8, v4;
	v5 =	vadd.s32 v6, v5;
	v6 =	vmul.u32 v12, v12  }
0xb9: {  	v4 =	vadd.s32 v9, v4;
	v5 =	vadd.s32 v7, v5;
	v7 =	vmul.u32 v14, v14  }
0xba: {  	v4 =	vadd.s32 v12, v4;
	v5 =	vadd.s32 v6, v5  }
0xbb: {  	v4 =	vadd.s32 v14, v4;
	v5 =	vadd.s32 v7, v5  }
0xbc: {  	v4 =	vcvt.s32.f32 v4;
	v5 =	vcvt.s32.f32 v5;
	_ =	sdelay $0x1  }
0xbd: {  	v5 =	vsub.f32 v5, v4;
	_ =	sdelay $0x1  }
0xbe: {  	v4 =	vmul.f32 v4, v1;
	v5 =	vmul.f32 v5, v2;
	_ =	sdelay $0x1  }
0xbf: {  	v4 =	vadd.f32 v5, v4;
	_ =	sdelay $0x1  }
0xc0: {  	v4 =	vmul.f32 $1.999999960e-02, v4;
	_ =	sdelay $0x1  }
0xc1: {  	v4 =	vadd.f32 v4, v3;
	_ =	sdelay $0x1  }
0xc2: {  	v4 =	vadd.f32 v4, v0;
	_ =	sdelay $0x1  }
0xc3: {  	v4 =	vsub.f32 $0.0e+00, v4;
	_ =	sdelay $0x1  }
0xc4: {  	v4 =	vmul.f32 $1.442695020e+00, v4;
	_ =	sdelay $0x1  }
0xc5: {  	(erf) = vpow2.f32 v4;
	_ =	sdelay $0x8  }
0xc6: {  	v4 =	vpop (erf)  }
0xc7: {  	v4 =	vadd.f32 $1.000000000e+00, v4;
	_ =	sdelay $0x1  }
0xc8: {  	(erf) = vrcp.f32 v4;
	_ =	sdelay $0x5  }
.Ltmp0:
0xc9: {  	(pc) =	sbr.rel @p0 .LBB2_2-.Ltmp0, $4  }
0xca: {  	_ = 	snop  }
0xcb: {  	s19 =	sadd.s32 $0x80, s19  }
0xcc: {  	s0 =	sand.u32 $0x70, s20;
	s17 =	sadd.s32 $0x10, s17;
	s1 =	sand.u32 $0x400, s19;
	v4 =	vpop (erf)  }
0xcd: {  	s20 =	sadd.s32 $0x10, s20;
	s18 =	sor.u32 s0, s1;
	[tilespmem:s17+$0x0] =	vst v4  }
0xce: {  	v4 =	vld [tilespmem:s18+$0x80]  }
0xcf: {  	v5 =	vld [tilespmem:s18+$0x0]  }
0xd0: {  	v6 =	vld [tilespmem:s18+$0x100]  }
0xd1: {  	v7 =	vld [tilespmem:s18+$0x180]  }
0xd2: {  	v8 =	vld [tilespmem:s18+$0x200]  }
0xd3: {  	v9 =	vld [tilespmem:s18+$0x280]  }
0xd4: {  	v12 =	vld [tilespmem:s18+$0x300];
	v10 =	vmul.u32 v5, v5;
	v11 =	vmul.u32 v4, v4  }
0xd5: {  	v14 =	vld [tilespmem:s18+$0x380];
	v13 =	vmul.u32 v6, v6  }
0xd6: {  	v24 =	vld [tilespmem:s18+$0x800];
	v4 =	vadd.s32 v5, v4;
	v23 =	vmul.u32 v7, v7;
	v5 =	vadd.s32 v10, v11  }
0xd7: {  	v26 =	vld [tilespmem:s18+$0x880];
	v25 =	vmul.u32 v8, v8;
	v4 =	vadd.s32 v6, v4;
	v5 =	vadd.s32 v13, v5  }
0xd8: {  	v28 =	vld [tilespmem:s18+$0x900];
	v27 =	vmul.u32 v9, v9;
	v4 =	vadd.s32 v7, v4;
	v5 =	vadd.s32 v23, v5  }
0xd9: {  	v30 =	vld [tilespmem:s18+$0x980];
	v29 =	vmul.u32 v12, v12;
	v4 =	vadd.s32 v8, v4;
	v5 =	vadd.s32 v25, v5  }
0xda: {  	v32 =	vld [tilespmem:s18+$0xA00];
	v31 =	vmul.u32 v14, v14;
	v4 =	vadd.s32 v9, v4;
	v5 =	vadd.s32 v27, v5  }
0xdb: {  	v34 =	vld [tilespmem:s18+$0xA80];
	v33 =	vmul.u32 v24, v24;
	v4 =	vadd.s32 v12, v4;
	v5 =	vadd.s32 v29, v5  }
0xdc: {  	v36 =	vld [tilespmem:s18+$0xB00];
	v35 =	vmul.u32 v26, v26;
	v4 =	vadd.s32 v14, v4;
	v5 =	vadd.s32 v31, v5  }
0xdd: {  	v38 =	vld [tilespmem:s18+$0xB80];
	v37 =	vmul.u32 v28, v28;
	v4 =	vadd.s32 v24, v4;
	v5 =	vadd.s32 v33, v5  }
0xde: {  	v40 =	vld [tilespmem:s18+$0x1000];
	v39 =	vmul.u32 v30, v30;
	v4 =	vadd.s32 v26, v4;
	v5 =	vadd.s32 v35, v5  }
0xdf: {  	v42 =	vld [tilespmem:s18+$0x1080];
	v41 =	vmul.u32 v32, v32;
	v4 =	vadd.s32 v28, v4;
	v5 =	vadd.s32 v37, v5  }
0xe0: {  	v44 =	vld [tilespmem:s18+$0x1100];
	v43 =	vmul.u32 v34, v34;
	v4 =	vadd.s32 v30, v4;
	v5 =	vadd.s32 v39, v5  }
0xe1: {  	v46 =	vld [tilespmem:s18+$0x1180];
	v45 =	vmul.u32 v36, v36;
	v4 =	vadd.s32 v32, v4;
	v5 =	vadd.s32 v41, v5  }
0xe2: {  	v48 =	vld [tilespmem:s18+$0x1200];
	v47 =	vmul.u32 v38, v38;
	v4 =	vadd.s32 v34, v4;
	v5 =	vadd.s32 v43, v5  }
0xe3: {  	v50 =	vld [tilespmem:s18+$0x1280];
	v49 =	vmul.u32 v40, v40;
	v4 =	vadd.s32 v36, v4;
	v5 =	vadd.s32 v45, v5  }
0xe4: {  	v52 =	vld [tilespmem:s18+$0x1300];
	v51 =	vmul.u32 v42, v42;
	v4 =	vadd.s32 v38, v4;
	v5 =	vadd.s32 v47, v5  }
0xe5: {  	v54 =	vld [tilespmem:s18+$0x1380];
	v53 =	vmul.u32 v44, v44;
	v4 =	vadd.s32 v40, v4;
	v5 =	vadd.s32 v49, v5  }
0xe6: {  	v56 =	vld [tilespmem:s18+$0x1800];
	v55 =	vmul.u32 v46, v46;
	v4 =	vadd.s32 v42, v4;
	v5 =	vadd.s32 v51, v5  }
0xe7: {  	v58 =	vld [tilespmem:s18+$0x1880];
	v57 =	vmul.u32 v48, v48;
	v4 =	vadd.s32 v44, v4;
	v5 =	vadd.s32 v53, v5  }
0xe8: {  	v60 =	vld [tilespmem:s18+$0x1900];
	v59 =	vmul.u32 v50, v50;
	v4 =	vadd.s32 v46, v4;
	v5 =	vadd.s32 v55, v5  }
0xe9: {  	v62 =	vld [tilespmem:s18+$0x1980];
	v61 =	vmul.u32 v52, v52;
	v4 =	vadd.s32 v48, v4;
	v5 =	vadd.s32 v57, v5  }
0xea: {  	v16 =	vld [tilespmem:s18+$0x1A00];
	v63 =	vmul.u32 v54, v54;
	v4 =	vadd.s32 v50, v4;
	v5 =	vadd.s32 v59, v5  }
0xeb: {  	v18 =	vld [tilespmem:s18+$0x1A80];
	v17 =	vmul.u32 v56, v56;
	v4 =	vadd.s32 v52, v4;
	v5 =	vadd.s32 v61, v5  }
0xec: {  	v20 =	vld [tilespmem:s18+$0x1B00];
	v19 =	vmul.u32 v58, v58;
	v4 =	vadd.s32 v54, v4;
	v5 =	vadd.s32 v63, v5  }
0xed: {  	v22 =	vld [tilespmem:s18+$0x1B80];
	v21 =	vmul.u32 v60, v60;
	v4 =	vadd.s32 v56, v4;
	v5 =	vadd.s32 v17, v5  }
0xee: {  	v23 =	vmul.u32 v62, v62;
	v24 =	vld [tilespmem:s18+$0x2000];
	v4 =	vadd.s32 v58, v4;
	v5 =	vadd.s32 v19, v5  }
0xef: {  	v25 =	vmul.u32 v16, v16;
	v26 =	vld [tilespmem:s18+$0x2080];
	v4 =	vadd.s32 v60, v4;
	v5 =	vadd.s32 v21, v5  }
0xf0: {  	v27 =	vmul.u32 v18, v18;
	v28 =	vld [tilespmem:s18+$0x2100];
	v4 =	vadd.s32 v62, v4;
	v5 =	vadd.s32 v23, v5  }
0xf1: {  	v29 =	vmul.u32 v20, v20;
	v30 =	vld [tilespmem:s18+$0x2180];
	v4 =	vadd.s32 v16, v4;
	v5 =	vadd.s32 v25, v5  }
0xf2: {  	v31 =	vmul.u32 v22, v22;
	v32 =	vld [tilespmem:s18+$0x2200];
	v4 =	vadd.s32 v18, v4;
	v5 =	vadd.s32 v27, v5  }
0xf3: {  	v33 =	vmul.u32 v24, v24;
	v34 =	vld [tilespmem:s18+$0x2280];
	v4 =	vadd.s32 v20, v4;
	v5 =	vadd.s32 v29, v5  }
0xf4: {  	v35 =	vmul.u32 v26, v26;
	v36 =	vld [tilespmem:s18+$0x2300];
	v4 =	vadd.s32 v22, v4;
	v5 =	vadd.s32 v31, v5  }
0xf5: {  	v37 =	vmul.u32 v28, v28;
	v38 =	vld [tilespmem:s18+$0x2380];
	v4 =	vadd.s32 v24, v4;
	v5 =	vadd.s32 v33, v5  }
0xf6: {  	v39 =	vmul.u32 v30, v30;
	v40 =	vld [tilespmem:s18+$0x2800];
	v4 =	vadd.s32 v26, v4;
	v5 =	vadd.s32 v35, v5  }
0xf7: {  	v41 =	vmul.u32 v32, v32;
	v42 =	vld [tilespmem:s18+$0x2880];
	v4 =	vadd.s32 v28, v4;
	v5 =	vadd.s32 v37, v5  }
0xf8: {  	v43 =	vmul.u32 v34, v34;
	v44 =	vld [tilespmem:s18+$0x2900];
	v4 =	vadd.s32 v30, v4;
	v5 =	vadd.s32 v39, v5  }
0xf9: {  	v45 =	vmul.u32 v36, v36;
	v46 =	vld [tilespmem:s18+$0x2980];
	v4 =	vadd.s32 v32, v4;
	v5 =	vadd.s32 v41, v5  }
0xfa: {  	v47 =	vmul.u32 v38, v38;
	v48 =	vld [tilespmem:s18+$0x2A00];
	v4 =	vadd.s32 v34, v4;
	v5 =	vadd.s32 v43, v5  }
0xfb: {  	v49 =	vmul.u32 v40, v40;
	v50 =	vld [tilespmem:s18+$0x2A80];
	v4 =	vadd.s32 v36, v4;
	v5 =	vadd.s32 v45, v5  }
0xfc: {  	v51 =	vmul.u32 v42, v42;
	v52 =	vld [tilespmem:s18+$0x2B00];
	v4 =	vadd.s32 v38, v4;
	v5 =	vadd.s32 v47, v5  }
0xfd: {  	v53 =	vmul.u32 v44, v44;
	v54 =	vld [tilespmem:s18+$0x2B80];
	v4 =	vadd.s32 v40, v4;
	v5 =	vadd.s32 v49, v5  }
0xfe: {  	v55 =	vmul.u32 v46, v46;
	v56 =	vld [tilespmem:s18+$0x3000];
	v4 =	vadd.s32 v42, v4;
	v5 =	vadd.s32 v51, v5  }
0xff: {  	v57 =	vmul.u32 v48, v48;
	v58 =	vld [tilespmem:s18+$0x3080];
	v4 =	vadd.s32 v44, v4;
	v5 =	vadd.s32 v53, v5  }
0x100: {  	v59 =	vmul.u32 v50, v50;
	v4 =	vadd.s32 v46, v4;
	v5 =	vadd.s32 v55, v5  }
0x101: {  	v60 =	vmul.u32 v52, v52;
	v4 =	vadd.s32 v48, v4;
	v5 =	vadd.s32 v57, v5  }
0x102: {  	v61 =	vmul.u32 v54, v54;
	v4 =	vadd.s32 v50, v4;
	v5 =	vadd.s32 v59, v5  }
0x103: {  	v62 =	vmul.u32 v56, v56;
	v4 =	vadd.s32 v52, v4;
	v5 =	vadd.s32 v60, v5  }
0x104: {  	v63 =	vmul.u32 v58, v58;
	v4 =	vadd.s32 v54, v4;
	v5 =	vadd.s32 v61, v5  }
0x105: {  	v4 =	vadd.s32 v56, v4;
	v5 =	vadd.s32 v62, v5  }
0x106: {  	v4 =	vadd.s32 v58, v4;
	v5 =	vadd.s32 v63, v5  }
0x107: {  	v4 =	vcvt.s32.f32 v4;
	v5 =	vcvt.s32.f32 v5;
	_ =	sdelay $0x1  }
0x108: {  	v5 =	vsub.f32 v5, v4;
	_ =	sdelay $0x1  }
0x109: {  	v4 =	vmul.f32 v4, v1;
	v5 =	vmul.f32 v5, v2;
	_ =	sdelay $0x1  }
0x10a: {  	v4 =	vadd.f32 v5, v4;
	_ =	sdelay $0x1  }
0x10b: {  	v4 =	vmul.f32 $1.999999960e-02, v4;
	_ =	sdelay $0x1  }
0x10c: {  	v4 =	vadd.f32 v4, v3;
	_ =	sdelay $0x1  }
0x10d: {  	v4 =	vadd.f32 v4, v0;
	_ =	sdelay $0x1  }
0x10e: {  	v4 =	vsub.f32 $0.0e+00, v4;
	_ =	sdelay $0x1  }
0x10f: {  	v4 =	vmul.f32 $1.442695020e+00, v4;
	_ =	sdelay $0x1  }
0x110: {  	(erf) = vpow2.f32 v4;
	_ =	sdelay $0x8  }
0x111: {  	v4 =	vpop (erf)  }
0x112: {  	v4 =	vadd.f32 $1.000000000e+00, v4;
	_ =	sdelay $0x1  }
0x113: {  	(erf) = vrcp.f32 v4;
	_ =	sdelay $0x8  }
0x114: {  	s0 =	sadd.s32 $0x10, s17;
	v4 =	vpop (erf)  }
0x115: {  	[tilespmem:s0+$0x0] =	vst v4  }
0x116: {  	s17 =	simm.s32 $0x0;
	s20 =	simm.s32 $0x10;
	_ =	swait.ge [sflag:s14], $0x3800  }
0x117: {  	s31 =	sand.u32 $0x70, s17;
	s1 =	sand.u32 $0x400, s17;
	[sflag:s14] =	ssyncset.done $0x0  }
0x118: {  	s19 =	simm.s32 $0x0;
	s18 =	sor.u32 s31, s1;
	[sflag:s14] =	ssyncadd.s32 $0xFFFFC800  }
.LBB2_4:
0x119: {  	p0 =	sne.s32 s20, $0xF0;
	v4 =	vld [tilespmem:s18+$0x3880]  }
0x11a: {  	v5 =	vld [tilespmem:s18+$0x3800]  }
0x11b: {  	v6 =	vld [tilespmem:s18+$0x3900]  }
0x11c: {  	v7 =	vld [tilespmem:s18+$0x3980]  }
0x11d: {  	v8 =	vld [tilespmem:s18+$0x3A00]  }
0x11e: {  	s0 =	sor.u32 s19, s17;
	v9 =	vld [tilespmem:s18+$0x3A80]  }
0x11f: {  	s0 =	sor.u32 $0x380, s0;
	v11 =	vmul.u32 v4, v4;
	v10 =	vmul.u32 v5, v5;
	v12 =	vld [tilespmem:s18+$0x3B00]  }
0x120: {  	v13 =	vmul.u32 v6, v6;
	v14 =	vld [tilespmem:s0+$0x3800]  }
0x121: {  	v4 =	vadd.s32 v5, v4;
	v5 =	vadd.s32 v10, v11;
	v10 =	vmul.u32 v7, v7;
	v11 =	vld [tilespmem:s18+$0x4000]  }
0x122: {  	v4 =	vadd.s32 v6, v4;
	v5 =	vadd.s32 v13, v5;
	v6 =	vmul.u32 v8, v8;
	v13 =	vld [tilespmem:s18+$0x4080]  }
0x123: {  	v4 =	vadd.s32 v7, v4;
	v5 =	vadd.s32 v10, v5;
	v7 =	vmul.u32 v9, v9;
	v10 =	vld [tilespmem:s18+$0x4100]  }
0x124: {  	v4 =	vadd.s32 v8, v4;
	v5 =	vadd.s32 v6, v5;
	v6 =	vmul.u32 v12, v12;
	v8 =	vld [tilespmem:s18+$0x4180]  }
0x125: {  	v4 =	vadd.s32 v9, v4;
	v5 =	vadd.s32 v7, v5;
	v7 =	vmul.u32 v14, v14;
	v9 =	vld [tilespmem:s18+$0x4200]  }
0x126: {  	v4 =	vadd.s32 v12, v4;
	v5 =	vadd.s32 v6, v5;
	v6 =	vmul.u32 v11, v11;
	v12 =	vld [tilespmem:s18+$0x4280]  }
0x127: {  	v4 =	vadd.s32 v14, v4;
	v5 =	vadd.s32 v7, v5;
	v7 =	vmul.u32 v13, v13;
	v14 =	vld [tilespmem:s18+$0x4300]  }
0x128: {  	v4 =	vadd.s32 v11, v4;
	v5 =	vadd.s32 v6, v5;
	v6 =	vmul.u32 v10, v10;
	v11 =	vld [tilespmem:s18+$0x4380]  }
0x129: {  	v4 =	vadd.s32 v13, v4;
	v5 =	vadd.s32 v7, v5;
	v7 =	vmul.u32 v8, v8;
	v13 =	vld [tilespmem:s18+$0x4800]  }
0x12a: {  	v4 =	vadd.s32 v10, v4;
	v5 =	vadd.s32 v6, v5;
	v6 =	vmul.u32 v9, v9;
	v10 =	vld [tilespmem:s18+$0x4880]  }
0x12b: {  	v4 =	vadd.s32 v8, v4;
	v5 =	vadd.s32 v7, v5;
	v7 =	vmul.u32 v12, v12;
	v8 =	vld [tilespmem:s18+$0x4900]  }
0x12c: {  	v4 =	vadd.s32 v9, v4;
	v5 =	vadd.s32 v6, v5;
	v6 =	vmul.u32 v14, v14;
	v9 =	vld [tilespmem:s18+$0x4980]  }
0x12d: {  	v4 =	vadd.s32 v12, v4;
	v5 =	vadd.s32 v7, v5;
	v7 =	vmul.u32 v11, v11;
	v12 =	vld [tilespmem:s18+$0x4A00]  }
0x12e: {  	v4 =	vadd.s32 v14, v4;
	v5 =	vadd.s32 v6, v5;
	v6 =	vmul.u32 v13, v13;
	v14 =	vld [tilespmem:s18+$0x4A80]  }
0x12f: {  	v4 =	vadd.s32 v11, v4;
	v5 =	vadd.s32 v7, v5;
	v7 =	vmul.u32 v10, v10;
	v11 =	vld [tilespmem:s18+$0x4B00]  }
0x130: {  	v4 =	vadd.s32 v13, v4;
	v5 =	vadd.s32 v6, v5;
	v6 =	vmul.u32 v8, v8;
	v13 =	vld [tilespmem:s18+$0x4B80]  }
0x131: {  	v4 =	vadd.s32 v10, v4;
	v5 =	vadd.s32 v7, v5;
	v7 =	vmul.u32 v9, v9;
	v10 =	vld [tilespmem:s18+$0x5000]  }
0x132: {  	v4 =	vadd.s32 v8, v4;
	v5 =	vadd.s32 v6, v5;
	v6 =	vmul.u32 v12, v12;
	v8 =	vld [tilespmem:s18+$0x5080]  }
0x133: {  	v4 =	vadd.s32 v9, v4;
	v5 =	vadd.s32 v7, v5;
	v7 =	vmul.u32 v14, v14;
	v9 =	vld [tilespmem:s18+$0x5100]  }
0x134: {  	v4 =	vadd.s32 v12, v4;
	v5 =	vadd.s32 v6, v5;
	v6 =	vmul.u32 v11, v11;
	v12 =	vld [tilespmem:s18+$0x5180]  }
0x135: {  	v4 =	vadd.s32 v14, v4;
	v5 =	vadd.s32 v7, v5;
	v7 =	vmul.u32 v13, v13;
	v14 =	vld [tilespmem:s18+$0x5200]  }
0x136: {  	v4 =	vadd.s32 v11, v4;
	v5 =	vadd.s32 v6, v5;
	v6 =	vmul.u32 v10, v10;
	v11 =	vld [tilespmem:s18+$0x5280]  }
0x137: {  	v4 =	vadd.s32 v13, v4;
	v5 =	vadd.s32 v7, v5;
	v7 =	vmul.u32 v8, v8;
	v13 =	vld [tilespmem:s18+$0x5300]  }
0x138: {  	v4 =	vadd.s32 v10, v4;
	v5 =	vadd.s32 v6, v5;
	v6 =	vmul.u32 v9, v9;
	v10 =	vld [tilespmem:s18+$0x5380]  }
0x139: {  	v4 =	vadd.s32 v8, v4;
	v5 =	vadd.s32 v7, v5;
	v7 =	vmul.u32 v12, v12;
	v8 =	vld [tilespmem:s18+$0x5800]  }
0x13a: {  	v4 =	vadd.s32 v9, v4;
	v5 =	vadd.s32 v6, v5;
	v6 =	vmul.u32 v14, v14;
	v9 =	vld [tilespmem:s18+$0x5880]  }
0x13b: {  	v4 =	vadd.s32 v12, v4;
	v5 =	vadd.s32 v7, v5;
	v7 =	vmul.u32 v11, v11;
	v12 =	vld [tilespmem:s18+$0x5900]  }
0x13c: {  	v4 =	vadd.s32 v14, v4;
	v5 =	vadd.s32 v6, v5;
	v6 =	vmul.u32 v13, v13;
	v14 =	vld [tilespmem:s18+$0x5980]  }
0x13d: {  	v4 =	vadd.s32 v11, v4;
	v5 =	vadd.s32 v7, v5;
	v7 =	vmul.u32 v10, v10;
	v11 =	vld [tilespmem:s18+$0x5A00]  }
0x13e: {  	v4 =	vadd.s32 v13, v4;
	v5 =	vadd.s32 v6, v5;
	v6 =	vmul.u32 v8, v8;
	v13 =	vld [tilespmem:s18+$0x5A80]  }
0x13f: {  	v4 =	vadd.s32 v10, v4;
	v5 =	vadd.s32 v7, v5;
	v7 =	vmul.u32 v9, v9;
	v10 =	vld [tilespmem:s18+$0x5B00]  }
0x140: {  	v4 =	vadd.s32 v8, v4;
	v5 =	vadd.s32 v6, v5;
	v6 =	vmul.u32 v12, v12;
	v8 =	vld [tilespmem:s18+$0x5B80]  }
0x141: {  	v4 =	vadd.s32 v9, v4;
	v5 =	vadd.s32 v7, v5;
	v7 =	vmul.u32 v14, v14;
	v9 =	vld [tilespmem:s18+$0x6000]  }
0x142: {  	v4 =	vadd.s32 v12, v4;
	v5 =	vadd.s32 v6, v5;
	v6 =	vmul.u32 v11, v11;
	v12 =	vld [tilespmem:s18+$0x6080]  }
0x143: {  	v4 =	vadd.s32 v14, v4;
	v5 =	vadd.s32 v7, v5;
	v7 =	vmul.u32 v13, v13;
	v14 =	vld [tilespmem:s18+$0x6100]  }
0x144: {  	v4 =	vadd.s32 v11, v4;
	v5 =	vadd.s32 v6, v5;
	v6 =	vmul.u32 v10, v10;
	v11 =	vld [tilespmem:s18+$0x6180]  }
0x145: {  	v4 =	vadd.s32 v13, v4;
	v5 =	vadd.s32 v7, v5;
	v7 =	vmul.u32 v8, v8;
	v13 =	vld [tilespmem:s18+$0x6200]  }
0x146: {  	v4 =	vadd.s32 v10, v4;
	v5 =	vadd.s32 v6, v5;
	v6 =	vmul.u32 v9, v9;
	v10 =	vld [tilespmem:s18+$0x6280]  }
0x147: {  	v4 =	vadd.s32 v8, v4;
	v5 =	vadd.s32 v7, v5;
	v7 =	vmul.u32 v12, v12;
	v8 =	vld [tilespmem:s18+$0x6300]  }
0x148: {  	v4 =	vadd.s32 v9, v4;
	v5 =	vadd.s32 v6, v5;
	v6 =	vmul.u32 v14, v14;
	v9 =	vld [tilespmem:s18+$0x6380]  }
0x149: {  	v4 =	vadd.s32 v12, v4;
	v5 =	vadd.s32 v7, v5;
	v7 =	vmul.u32 v11, v11;
	v12 =	vld [tilespmem:s18+$0x6800]  }
0x14a: {  	v4 =	vadd.s32 v14, v4;
	v5 =	vadd.s32 v6, v5;
	v6 =	vmul.u32 v13, v13;
	v14 =	vld [tilespmem:s18+$0x6880]  }
0x14b: {  	v4 =	vadd.s32 v11, v4;
	v5 =	vadd.s32 v7, v5;
	v7 =	vmul.u32 v10, v10  }
0x14c: {  	v4 =	vadd.s32 v13, v4;
	v5 =	vadd.s32 v6, v5;
	v6 =	vmul.u32 v8, v8  }
0x14d: {  	v4 =	vadd.s32 v10, v4;
	v5 =	vadd.s32 v7, v5;
	v7 =	vmul.u32 v9, v9  }
0x14e: {  	v4 =	vadd.s32 v8, v4;
	v5 =	vadd.s32 v6, v5;
	v6 =	vmul.u32 v12, v12  }
0x14f: {  	v4 =	vadd.s32 v9, v4;
	v5 =	vadd.s32 v7, v5;
	v7 =	vmul.u32 v14, v14  }
0x150: {  	v4 =	vadd.s32 v12, v4;
	v5 =	vadd.s32 v6, v5  }
0x151: {  	v4 =	vadd.s32 v14, v4;
	v5 =	vadd.s32 v7, v5  }
0x152: {  	v4 =	vcvt.s32.f32 v4;
	v5 =	vcvt.s32.f32 v5;
	_ =	sdelay $0x1  }
0x153: {  	v5 =	vsub.f32 v5, v4;
	_ =	sdelay $0x1  }
0x154: {  	v4 =	vmul.f32 v4, v1;
	v5 =	vmul.f32 v5, v2;
	_ =	sdelay $0x1  }
0x155: {  	v4 =	vadd.f32 v5, v4;
	_ =	sdelay $0x1  }
0x156: {  	v4 =	vmul.f32 $1.999999960e-02, v4;
	_ =	sdelay $0x1  }
0x157: {  	v4 =	vadd.f32 v4, v3;
	_ =	sdelay $0x1  }
0x158: {  	v4 =	vadd.f32 v4, v0;
	_ =	sdelay $0x1  }
0x159: {  	v4 =	vsub.f32 $0.0e+00, v4;
	_ =	sdelay $0x1  }
0x15a: {  	v4 =	vmul.f32 $1.442695020e+00, v4;
	_ =	sdelay $0x1  }
0x15b: {  	(erf) = vpow2.f32 v4;
	_ =	sdelay $0x8  }
0x15c: {  	v4 =	vpop (erf)  }
0x15d: {  	v4 =	vadd.f32 $1.000000000e+00, v4;
	_ =	sdelay $0x1  }
0x15e: {  	(erf) = vrcp.f32 v4;
	_ =	sdelay $0x5  }
.Ltmp1:
0x15f: {  	(pc) =	sbr.rel @p0 .LBB2_4-.Ltmp1, $4  }
0x160: {  	_ = 	snop  }
0x161: {  	s19 =	sadd.s32 $0x80, s19  }
0x162: {  	s10 =	sand.u32 $0xF0, s17;
	s1 =	sand.u32 $0x400, s19;
	s0 =	sand.u32 $0x70, s20;
	v4 =	vpop (erf)  }
0x163: {  	s17 =	smov.u32 s20;
	s20 =	sadd.s32 $0x10, s20;
	s18 =	sor.u32 s0, s1;
	[tilespmem:s10+$0x7100] =	vst v4  }
0x164: {  	v4 =	vld [tilespmem:s18+$0x3880]  }
0x165: {  	v5 =	vld [tilespmem:s18+$0x3800]  }
0x166: {  	v6 =	vld [tilespmem:s18+$0x3900]  }
0x167: {  	v7 =	vld [tilespmem:s18+$0x3980]  }
0x168: {  	v8 =	vld [tilespmem:s18+$0x3A00]  }
0x169: {  	v9 =	vld [tilespmem:s18+$0x3A80];
	s0 =	sor.u32 s19, s17  }
0x16a: {  	v12 =	vld [tilespmem:s18+$0x3B00];
	s0 =	sor.u32 $0x380, s0;
	v10 =	vmul.u32 v5, v5;
	v11 =	vmul.u32 v4, v4  }
0x16b: {  	v14 =	vld [tilespmem:s0+$0x3800];
	v13 =	vmul.u32 v6, v6  }
0x16c: {  	v24 =	vld [tilespmem:s18+$0x4000];
	v4 =	vadd.s32 v5, v4;
	v23 =	vmul.u32 v7, v7;
	v22 =	vadd.s32 v10, v11  }
0x16d: {  	v26 =	vld [tilespmem:s18+$0x4080];
	v25 =	vmul.u32 v8, v8;
	v4 =	vadd.s32 v6, v4;
	v5 =	vadd.s32 v13, v22  }
0x16e: {  	v28 =	vld [tilespmem:s18+$0x4100];
	v27 =	vmul.u32 v9, v9;
	v4 =	vadd.s32 v7, v4;
	v5 =	vadd.s32 v23, v5  }
0x16f: {  	v30 =	vld [tilespmem:s18+$0x4180];
	v29 =	vmul.u32 v12, v12;
	v4 =	vadd.s32 v8, v4;
	v5 =	vadd.s32 v25, v5  }
0x170: {  	v32 =	vld [tilespmem:s18+$0x4200];
	v31 =	vmul.u32 v14, v14;
	v4 =	vadd.s32 v9, v4;
	v5 =	vadd.s32 v27, v5  }
0x171: {  	v34 =	vld [tilespmem:s18+$0x4280];
	v33 =	vmul.u32 v24, v24;
	v4 =	vadd.s32 v12, v4;
	v5 =	vadd.s32 v29, v5  }
0x172: {  	v36 =	vld [tilespmem:s18+$0x4300];
	v35 =	vmul.u32 v26, v26;
	v4 =	vadd.s32 v14, v4;
	v5 =	vadd.s32 v31, v5  }
0x173: {  	v38 =	vld [tilespmem:s18+$0x4380];
	v37 =	vmul.u32 v28, v28;
	v4 =	vadd.s32 v24, v4;
	v5 =	vadd.s32 v33, v5  }
0x174: {  	v40 =	vld [tilespmem:s18+$0x4800];
	v39 =	vmul.u32 v30, v30;
	v4 =	vadd.s32 v26, v4;
	v5 =	vadd.s32 v35, v5  }
0x175: {  	v42 =	vld [tilespmem:s18+$0x4880];
	v41 =	vmul.u32 v32, v32;
	v4 =	vadd.s32 v28, v4;
	v5 =	vadd.s32 v37, v5  }
0x176: {  	v44 =	vld [tilespmem:s18+$0x4900];
	v43 =	vmul.u32 v34, v34;
	v4 =	vadd.s32 v30, v4;
	v5 =	vadd.s32 v39, v5  }
0x177: {  	v46 =	vld [tilespmem:s18+$0x4980];
	v45 =	vmul.u32 v36, v36;
	v4 =	vadd.s32 v32, v4;
	v5 =	vadd.s32 v41, v5  }
0x178: {  	v48 =	vld [tilespmem:s18+$0x4A00];
	v47 =	vmul.u32 v38, v38;
	v4 =	vadd.s32 v34, v4;
	v5 =	vadd.s32 v43, v5  }
0x179: {  	v50 =	vld [tilespmem:s18+$0x4A80];
	v49 =	vmul.u32 v40, v40;
	v4 =	vadd.s32 v36, v4;
	v5 =	vadd.s32 v45, v5  }
0x17a: {  	v52 =	vld [tilespmem:s18+$0x4B00];
	v51 =	vmul.u32 v42, v42;
	v4 =	vadd.s32 v38, v4;
	v5 =	vadd.s32 v47, v5  }
0x17b: {  	v54 =	vld [tilespmem:s18+$0x4B80];
	v53 =	vmul.u32 v44, v44;
	v4 =	vadd.s32 v40, v4;
	v5 =	vadd.s32 v49, v5  }
0x17c: {  	v56 =	vld [tilespmem:s18+$0x5000];
	v55 =	vmul.u32 v46, v46;
	v4 =	vadd.s32 v42, v4;
	v5 =	vadd.s32 v51, v5  }
0x17d: {  	v58 =	vld [tilespmem:s18+$0x5080];
	v57 =	vmul.u32 v48, v48;
	v4 =	vadd.s32 v44, v4;
	v5 =	vadd.s32 v53, v5  }
0x17e: {  	v60 =	vld [tilespmem:s18+$0x5100];
	v59 =	vmul.u32 v50, v50;
	v4 =	vadd.s32 v46, v4;
	v5 =	vadd.s32 v55, v5  }
0x17f: {  	v62 =	vld [tilespmem:s18+$0x5180];
	v61 =	vmul.u32 v52, v52;
	v4 =	vadd.s32 v48, v4;
	v5 =	vadd.s32 v57, v5  }
0x180: {  	v16 =	vld [tilespmem:s18+$0x5200];
	v63 =	vmul.u32 v54, v54;
	v4 =	vadd.s32 v50, v4;
	v5 =	vadd.s32 v59, v5  }
0x181: {  	v18 =	vld [tilespmem:s18+$0x5280];
	v17 =	vmul.u32 v56, v56;
	v4 =	vadd.s32 v52, v4;
	v5 =	vadd.s32 v61, v5  }
0x182: {  	v20 =	vld [tilespmem:s18+$0x5300];
	v19 =	vmul.u32 v58, v58;
	v4 =	vadd.s32 v54, v4;
	v5 =	vadd.s32 v63, v5  }
0x183: {  	v21 =	vmul.u32 v60, v60;
	v22 =	vld [tilespmem:s18+$0x5380];
	v4 =	vadd.s32 v56, v4;
	v5 =	vadd.s32 v17, v5  }
0x184: {  	v23 =	vmul.u32 v62, v62;
	v24 =	vld [tilespmem:s18+$0x5800];
	v4 =	vadd.s32 v58, v4;
	v5 =	vadd.s32 v19, v5  }
0x185: {  	v25 =	vmul.u32 v16, v16;
	v26 =	vld [tilespmem:s18+$0x5880];
	v4 =	vadd.s32 v60, v4;
	v5 =	vadd.s32 v21, v5  }
0x186: {  	v27 =	vmul.u32 v18, v18;
	v28 =	vld [tilespmem:s18+$0x5900];
	v4 =	vadd.s32 v62, v4;
	v5 =	vadd.s32 v23, v5  }
0x187: {  	v29 =	vmul.u32 v20, v20;
	v30 =	vld [tilespmem:s18+$0x5980];
	v4 =	vadd.s32 v16, v4;
	v5 =	vadd.s32 v25, v5  }
0x188: {  	v31 =	vmul.u32 v22, v22;
	v32 =	vld [tilespmem:s18+$0x5A00];
	v4 =	vadd.s32 v18, v4;
	v5 =	vadd.s32 v27, v5  }
0x189: {  	v33 =	vmul.u32 v24, v24;
	v34 =	vld [tilespmem:s18+$0x5A80];
	v4 =	vadd.s32 v20, v4;
	v5 =	vadd.s32 v29, v5  }
0x18a: {  	v35 =	vmul.u32 v26, v26;
	v36 =	vld [tilespmem:s18+$0x5B00];
	v4 =	vadd.s32 v22, v4;
	v5 =	vadd.s32 v31, v5  }
0x18b: {  	v37 =	vmul.u32 v28, v28;
	v38 =	vld [tilespmem:s18+$0x5B80];
	v4 =	vadd.s32 v24, v4;
	v5 =	vadd.s32 v33, v5  }
0x18c: {  	v39 =	vmul.u32 v30, v30;
	v40 =	vld [tilespmem:s18+$0x6000];
	v4 =	vadd.s32 v26, v4;
	v5 =	vadd.s32 v35, v5  }
0x18d: {  	v41 =	vmul.u32 v32, v32;
	v42 =	vld [tilespmem:s18+$0x6080];
	v4 =	vadd.s32 v28, v4;
	v5 =	vadd.s32 v37, v5  }
0x18e: {  	v43 =	vmul.u32 v34, v34;
	v44 =	vld [tilespmem:s18+$0x6100];
	v4 =	vadd.s32 v30, v4;
	v5 =	vadd.s32 v39, v5  }
0x18f: {  	v45 =	vmul.u32 v36, v36;
	v46 =	vld [tilespmem:s18+$0x6180];
	v4 =	vadd.s32 v32, v4;
	v5 =	vadd.s32 v41, v5  }
0x190: {  	v47 =	vmul.u32 v38, v38;
	v48 =	vld [tilespmem:s18+$0x6200];
	v4 =	vadd.s32 v34, v4;
	v5 =	vadd.s32 v43, v5  }
0x191: {  	v49 =	vmul.u32 v40, v40;
	v50 =	vld [tilespmem:s18+$0x6280];
	v4 =	vadd.s32 v36, v4;
	v5 =	vadd.s32 v45, v5  }
0x192: {  	v51 =	vmul.u32 v42, v42;
	v52 =	vld [tilespmem:s18+$0x6300];
	v4 =	vadd.s32 v38, v4;
	v5 =	vadd.s32 v47, v5  }
0x193: {  	v53 =	vmul.u32 v44, v44;
	v54 =	vld [tilespmem:s18+$0x6380];
	v4 =	vadd.s32 v40, v4;
	v5 =	vadd.s32 v49, v5  }
0x194: {  	v55 =	vmul.u32 v46, v46;
	v56 =	vld [tilespmem:s18+$0x6800];
	v4 =	vadd.s32 v42, v4;
	v5 =	vadd.s32 v51, v5  }
0x195: {  	v57 =	vmul.u32 v48, v48;
	v58 =	vld [tilespmem:s18+$0x6880];
	v4 =	vadd.s32 v44, v4;
	v5 =	vadd.s32 v53, v5  }
0x196: {  	v59 =	vmul.u32 v50, v50;
	v4 =	vadd.s32 v46, v4;
	v5 =	vadd.s32 v55, v5  }
0x197: {  	v60 =	vmul.u32 v52, v52;
	v4 =	vadd.s32 v48, v4;
	v5 =	vadd.s32 v57, v5  }
0x198: {  	v61 =	vmul.u32 v54, v54;
	v4 =	vadd.s32 v50, v4;
	v5 =	vadd.s32 v59, v5  }
0x199: {  	v62 =	vmul.u32 v56, v56;
	v4 =	vadd.s32 v52, v4;
	v5 =	vadd.s32 v60, v5  }
0x19a: {  	v63 =	vmul.u32 v58, v58;
	v4 =	vadd.s32 v54, v4;
	v5 =	vadd.s32 v61, v5  }
0x19b: {  	v4 =	vadd.s32 v56, v4;
	v5 =	vadd.s32 v62, v5  }
0x19c: {  	v4 =	vadd.s32 v58, v4;
	v5 =	vadd.s32 v63, v5  }
0x19d: {  	v4 =	vcvt.s32.f32 v4;
	v5 =	vcvt.s32.f32 v5;
	_ =	sdelay $0x1  }
0x19e: {  	v5 =	vsub.f32 v5, v4;
	_ =	sdelay $0x1  }
0x19f: {  	v1 =	vmul.f32 v4, v1;
	v2 =	vmul.f32 v5, v2;
	_ =	sdelay $0x1  }
0x1a0: {  	v1 =	vadd.f32 v2, v1;
	_ =	sdelay $0x1  }
0x1a1: {  	v1 =	vmul.f32 $1.999999960e-02, v1;
	_ =	sdelay $0x1  }
0x1a2: {  	v1 =	vadd.f32 v1, v3;
	_ =	sdelay $0x1  }
0x1a3: {  	v0 =	vadd.f32 v1, v0;
	_ =	sdelay $0x1  }
0x1a4: {  	v0 =	vsub.f32 $0.0e+00, v0;
	_ =	sdelay $0x1  }
0x1a5: {  	v0 =	vmul.f32 $1.442695020e+00, v0;
	_ =	sdelay $0x1  }
0x1a6: {  	(erf) = vpow2.f32 v0;
	_ =	sdelay $0x8  }
0x1a7: {  	v0 =	vpop (erf)  }
0x1a8: {  	v0 =	vadd.f32 $1.000000000e+00, v0;
	_ =	sdelay $0x1  }
0x1a9: {  	(erf) = vrcp.f32 v0;
	_ =	sdelay $0x7  }
0x1aa: {  	s16 =	sadd.s32 $0x1, s16  }
0x1ab: {  	s31 =	sand.u32 $0xF0, s17;
	p0 =	sne.s32 s16, s7;
	v0 =	vpop (erf)  }
.Ltmp2:
0x1ac: {  	[tilespmem:s31+$0x7100] =	vst v0;
	(pc) =	sbr.rel @p0 .LBB2_1-.Ltmp2, $4  }
0x1ad: {  	[hbm4b:s6+s2] =	stream.linear.scatter [tilespmem:s15], [sflag:$0x3], $0x200, $0x38;
	[tilespmem:$0x7280] =	vst v63  }
0x1ae: {  	_ =	swait.ge [sflag:s12], $0x200  }
0x1af: {  	[sflag:s12] =	ssyncset.done $0x0  }
0x1b0: {  	[sflag:s12] =	ssyncadd.s32 $0xFFFFFE00  }
0x1b1: {  	_ =	sfence.sel $0x180000  }
0x1b2: {  	[bflag:$0x0] =	sbarrier.arrive $0xFFFF  }
0x1b3: {  	_ =	strace $0x90000047  }
0x1b4: {  	s0 =	stileid.u32;
	[bflag:$0x2] =	sbarrier.arrive $0xFFFF  }
0x1b5: {  	p0 =	sne.s32 s0, $0x0;
	s0 =	rddreg [dreg:$0x3]  }
0x1b6: {  	s0 =	sadd.s32 @!p0 $0x100000, s0  }
0x1b7: {  	[sflag:s0] =	ssyncadd.tile.s32 @!p0 $0x1;
	_ =	shalt  }
.Lfunc_end2:
_tile_overlayer_lowered:
.L_overlay_start_2:
0x1b8: {  	(tag) =	ssettag $0x2  }
0x1b9: {  	s0 =	rddreg [dreg:$0x0];
	s2 =	stileid.u32  }
0x1ba: {  	s1 =	rddreg [dreg:$0x1];
	p0 =	sne.s32 s2, $0x0  }
0x1bb: {  	s3 =	rddreg [dreg:$0x2];
	[bflag:$0x3] =	sbarrier.arrive $0xFFFF;
	s2 =	simm.s32 @!p0 $0x1C03  }
0x1bc: {  	[timem:s3], [sflag:s2] =	dma.local @!p0 [hbm:s0], s1  }
0x1bd: {  	s0 =	simm.s32 @!p0 $0x3  }
0x1be: {  	_ =	swait.ge @!p0 [sflag:s0], s1  }
0x1bf: {  	s1 =	ssub.s32 @!p0 $0x0, s1;
	[sflag:s0] =	ssyncset.done @!p0 $0x0  }
0x1c0: {  	[sflag:s0] =	ssyncadd.s32 @!p0 s1  }
0x1c1: {  	[bflag:$0x3] =	sbarrier.arrive $0xFFFF  }
0x1c2: {  	_ =	shalt  }

</sc_bundles>
